<compile_context>
chip_gen: v7x
topology: tpu7x:2x2x1
jax: 0.10.2.dev20260603
libtpu: 0.0.44.dev20260713+nightly
codegen_flags: <defaults>
</compile_context>

<pallas_src>
import functools

import jax
import jax.numpy as jnp
from jax import lax
from jax.experimental import pallas as pl
from jax.experimental.pallas import tpu as pltpu
from jax.experimental.pallas import tpu_sc as plsc

_D = 512
_B = 16384

_info = plsc.get_sparse_core_info()
_NC = _info.num_cores
_NS = _info.num_subcores
_NW = _NC * _NS
_BPW = _B // _NW
_C = 64
_NCHUNK = _BPW // _C
_NB = 3

_mesh = plsc.VectorSubcoreMesh(core_axis_name="c", subcore_axis_name="s")


@functools.partial(
    pl.kernel,
    mesh=_mesh,
    out_type=jax.ShapeDtypeStruct((_B, _D), jnp.float32),
    scratch_types=[
        pltpu.VMEM((_BPW,), jnp.int32),
        pltpu.VMEM((_NB, _C, _D), jnp.float32),
        [pltpu.SemaphoreType.DMA] * _NB,
        [pltpu.SemaphoreType.DMA] * _NB,
    ],
)
def _gather_rows(table_hbm, idx_hbm, out_hbm, idx_v, rows_v, gsems, ssems):
    wid = lax.axis_index("s") * _NC + lax.axis_index("c")
    base = wid * _BPW
    pltpu.sync_copy(idx_hbm.at[pl.ds(base, _BPW)], idx_v)

    def gather(j, b):
        return pltpu.make_async_copy(
            table_hbm.at[idx_v.at[pl.ds(j * _C, _C)]], rows_v.at[b], gsems[b]
        )

    def writeback(j, b):
        return pltpu.make_async_copy(
            rows_v.at[b], out_hbm.at[pl.ds(base + j * _C, _C)], ssems[b]
        )

    for b in range(_NB):
        gather(b, b).start()
    for j in range(_NCHUNK):
        b = j % _NB
        gather(j, b).wait()
        nxt = j + _NB
        if nxt < _NCHUNK:
            gather(nxt, b).start()
    writeback(0, 0).start()
    writeback(0, 0).wait()


def kernel(text_cache, prompt_ids):
    return _gather_rows(text_cache, prompt_ids.astype(jnp.int32))

# --- scband reference (transcript-rebuilt; emitter-appended) ---
"""Pipeline reference for scband-cliptext-encoder-65197603554177 (READ-ONLY COPY).

The authoritative reference and input builder live on the scoring server;
editing this copy changes nothing except your own understanding.
"""

import jax, jax.numpy as jnp
import numpy as np

NUM_PROMPTS = 100000
EMBED_DIM = 512
BATCH = 16384


def setup_inputs(seed: int = 0) -> dict:
    key = jax.random.key(seed)
    k1, k2 = jax.random.split(key)
    # text_cache plays the role of the precomputed (frozen, L2-normalized) CLIP
    # text-embedding table built in _build_cache: shape [len(prompt_set), 512].
    cache = jax.random.normal(k1, (NUM_PROMPTS, EMBED_DIM), dtype=jnp.float32)
    cache = cache / jnp.clip(jnp.linalg.norm(cache, axis=-1, keepdims=True), 1e-12, None)
    prompt_ids = jax.random.randint(k2, (BATCH,), 0, NUM_PROMPTS)
    return {"text_cache": cache, "prompt_ids": prompt_ids}


def reference(text_cache, prompt_ids):
    # forward(prompt_ids=...) with a built cache reduces to a row gather:
    #   self.text_cache.index_select(0, prompt_ids)
    return jnp.take(text_cache, prompt_ids, axis=0)

if __name__ == "__main__":
    import jax
    _d = setup_inputs()
    print(jax.jit(kernel)(*tuple(_d.values())))

</pallas_src>

<mosaic_0001>
#map = affine_map<(d0, d1) -> (0, 0)>
#map1 = affine_map<(d0, d1) -> (0)>
module attributes {stable_mosaic.version = 14 : i64} {
  func.func @_gather_rows(%arg0: i32, %arg1: i32, %arg2: memref<100000x512xf32, #tpu.memory_space<hbm>>, %arg3: memref<16384xi32, #tpu.memory_space<hbm>>, %arg4: memref<16384x512xf32, #tpu.memory_space<hbm>>, %arg5: memref<512xi32, #tpu.memory_space<vmem>>, %arg6: memref<3x64x512xf32, #tpu.memory_space<vmem>>, %arg7: memref<!tpu.dma_semaphore, #tpu.memory_space<semaphore_mem>>, %arg8: memref<!tpu.dma_semaphore, #tpu.memory_space<semaphore_mem>>, %arg9: memref<!tpu.dma_semaphore, #tpu.memory_space<semaphore_mem>>, %arg10: memref<!tpu.dma_semaphore, #tpu.memory_space<semaphore_mem>>, %arg11: memref<!tpu.dma_semaphore, #tpu.memory_space<semaphore_mem>>, %arg12: memref<!tpu.dma_semaphore, #tpu.memory_space<semaphore_mem>>) attributes {dimension_semantics = [#tpu.dimension_semantics<core_parallel>, #tpu.dimension_semantics<subcore_parallel>], iteration_bounds = array<i64: 2, 16>, scalar_prefetch = 0 : i64, scratch_operands = 8 : i64, tpu.core_type = #tpu.core_type<sc_vector_subcore>, window_params = [{transform_indices = #map}, {transform_indices = #map1}, {transform_indices = #map}]} {
    %mul3A = arith.constant 2 : i32
    %mul3A_0 = arith.muli %arg1, %mul3A : i32
    %add3A = arith.addi %mul3A_0, %arg0 : i32
    %mul3A_1 = arith.constant 512 : i32
    %mul3A_2 = arith.muli %add3A, %mul3A_1 : i32
    "tpu.region"() ({
      %run_scoped3A = tpu.sem_alloc : memref<!tpu.dma_semaphore, #tpu.memory_space<semaphore_mem>>
      %dma_start3A_191 = tpu.memref_slice %arg3[%mul3A_2] : memref<16384xi32, #tpu.memory_space<hbm>> -> memref<512xi32, #tpu.memory_space<hbm>>
      %dma_start3A_192 = tpu.memref_slice %arg3[%mul3A_2] : memref<16384xi32, #tpu.memory_space<hbm>> -> memref<512xi32, #tpu.memory_space<hbm>>
      tpu.enqueue_dma source(%dma_start3A_192 : memref<512xi32, #tpu.memory_space<hbm>>) target(%arg5 : memref<512xi32, #tpu.memory_space<vmem>>) target_semaphore(%run_scoped3A : memref<!tpu.dma_semaphore, #tpu.memory_space<semaphore_mem>>)
      %dma_wait3A_193 = tpu.memref_slice %arg3[%mul3A_2] : memref<16384xi32, #tpu.memory_space<hbm>> -> memref<512xi32, #tpu.memory_space<hbm>>
      %dma_wait3A_194 = tpu.memref_slice %arg3[%mul3A_2] : memref<16384xi32, #tpu.memory_space<hbm>> -> memref<512xi32, #tpu.memory_space<hbm>>
      tpu.wait_dma2 semaphore(%run_scoped3A : memref<!tpu.dma_semaphore, #tpu.memory_space<semaphore_mem>>) src(%dma_wait3A_194 : memref<512xi32, #tpu.memory_space<hbm>>) dst(%arg5 : memref<512xi32, #tpu.memory_space<vmem>>)
      tpu.yield
    }) : () -> ()
    %dma_start3A = arith.constant 0 : i32
    %dma_start3A_3 = arith.constant 0 : i32
    %dma_start3A_4 = arith.constant 0 : i32
    %dma_start3A_5 = tpu.memref_slice %arg6[%dma_start3A, %dma_start3A_3, %dma_start3A_4] : memref<3x64x512xf32, #tpu.memory_space<vmem>> -> memref<1x64x512xf32, #tpu.memory_space<vmem>>
    %dma_start3A_6 = tpu.memref_squeeze %dma_start3A_5 : memref<1x64x512xf32, #tpu.memory_space<vmem>> -> memref<64x512xf32, #tpu.memory_space<vmem>>
    %dma_start3A_7 = arith.constant 0 : i32
    %dma_start3A_8 = tpu.memref_slice %arg5[%dma_start3A_7] : memref<512xi32, #tpu.memory_space<vmem>> -> memref<64xi32, #tpu.memory_space<vmem>>
    %dma_start3A_9 = arith.constant 0 : i32
    %dma_start3A_10 = arith.constant 0 : i32
    %dma_start3A_11 = tpu.memref_slice %arg2[%dma_start3A_9, %dma_start3A_10] : memref<100000x512xf32, #tpu.memory_space<hbm>> -> memref<100000x512xf32, #tpu.memory_space<hbm>>
    tpu.enqueue_indirect_dma source(%dma_start3A_11 : memref<100000x512xf32, #tpu.memory_space<hbm>>) target(%dma_start3A_6 : memref<64x512xf32, #tpu.memory_space<vmem>>) offsets(%dma_start3A_8 : memref<64xi32, #tpu.memory_space<vmem>>) semaphore(%arg7 : memref<!tpu.dma_semaphore, #tpu.memory_space<semaphore_mem>>)
    %dma_start3A_12 = arith.constant 1 : i32
    %dma_start3A_13 = arith.constant 0 : i32
    %dma_start3A_14 = arith.constant 0 : i32
    %dma_start3A_15 = tpu.memref_slice %arg6[%dma_start3A_12, %dma_start3A_13, %dma_start3A_14] : memref<3x64x512xf32, #tpu.memory_space<vmem>> -> memref<1x64x512xf32, #tpu.memory_space<vmem>>
    %dma_start3A_16 = tpu.memref_squeeze %dma_start3A_15 : memref<1x64x512xf32, #tpu.memory_space<vmem>> -> memref<64x512xf32, #tpu.memory_space<vmem>>
    %dma_start3A_17 = arith.constant 64 : i32
    %dma_start3A_18 = tpu.memref_slice %arg5[%dma_start3A_17] : memref<512xi32, #tpu.memory_space<vmem>> -> memref<64xi32, #tpu.memory_space<vmem>>
    %dma_start3A_19 = arith.constant 0 : i32
    %dma_start3A_20 = arith.constant 0 : i32
    %dma_start3A_21 = tpu.memref_slice %arg2[%dma_start3A_19, %dma_start3A_20] : memref<100000x512xf32, #tpu.memory_space<hbm>> -> memref<100000x512xf32, #tpu.memory_space<hbm>>
    tpu.enqueue_indirect_dma source(%dma_start3A_21 : memref<100000x512xf32, #tpu.memory_space<hbm>>) target(%dma_start3A_16 : memref<64x512xf32, #tpu.memory_space<vmem>>) offsets(%dma_start3A_18 : memref<64xi32, #tpu.memory_space<vmem>>) semaphore(%arg8 : memref<!tpu.dma_semaphore, #tpu.memory_space<semaphore_mem>>)
    %dma_start3A_22 = arith.constant 2 : i32
    %dma_start3A_23 = arith.constant 0 : i32
    %dma_start3A_24 = arith.constant 0 : i32
    %dma_start3A_25 = tpu.memref_slice %arg6[%dma_start3A_22, %dma_start3A_23, %dma_start3A_24] : memref<3x64x512xf32, #tpu.memory_space<vmem>> -> memref<1x64x512xf32, #tpu.memory_space<vmem>>
    %dma_start3A_26 = tpu.memref_squeeze %dma_start3A_25 : memref<1x64x512xf32, #tpu.memory_space<vmem>> -> memref<64x512xf32, #tpu.memory_space<vmem>>
    %dma_start3A_27 = arith.constant 128 : i32
    %dma_start3A_28 = tpu.memref_slice %arg5[%dma_start3A_27] : memref<512xi32, #tpu.memory_space<vmem>> -> memref<64xi32, #tpu.memory_space<vmem>>
    %dma_start3A_29 = arith.constant 0 : i32
    %dma_start3A_30 = arith.constant 0 : i32
    %dma_start3A_31 = tpu.memref_slice %arg2[%dma_start3A_29, %dma_start3A_30] : memref<100000x512xf32, #tpu.memory_space<hbm>> -> memref<100000x512xf32, #tpu.memory_space<hbm>>
    tpu.enqueue_indirect_dma source(%dma_start3A_31 : memref<100000x512xf32, #tpu.memory_space<hbm>>) target(%dma_start3A_26 : memref<64x512xf32, #tpu.memory_space<vmem>>) offsets(%dma_start3A_28 : memref<64xi32, #tpu.memory_space<vmem>>) semaphore(%arg9 : memref<!tpu.dma_semaphore, #tpu.memory_space<semaphore_mem>>)
    %dma_wait3A = arith.constant 0 : i32
    %dma_wait3A_32 = arith.constant 0 : i32
    %dma_wait3A_33 = arith.constant 0 : i32
    %dma_wait3A_34 = tpu.memref_slice %arg6[%dma_wait3A, %dma_wait3A_32, %dma_wait3A_33] : memref<3x64x512xf32, #tpu.memory_space<vmem>> -> memref<1x64x512xf32, #tpu.memory_space<vmem>>
    %dma_wait3A_35 = tpu.memref_squeeze %dma_wait3A_34 : memref<1x64x512xf32, #tpu.memory_space<vmem>> -> memref<64x512xf32, #tpu.memory_space<vmem>>
    %dma_wait3A_36 = arith.constant 0 : i32
    %dma_wait3A_37 = tpu.memref_slice %arg5[%dma_wait3A_36] : memref<512xi32, #tpu.memory_space<vmem>> -> memref<64xi32, #tpu.memory_space<vmem>>
    %dma_wait3A_38 = arith.constant 0 : i32
    %dma_wait3A_39 = arith.constant 0 : i32
    %dma_wait3A_40 = tpu.memref_slice %arg2[%dma_wait3A_38, %dma_wait3A_39] : memref<100000x512xf32, #tpu.memory_space<hbm>> -> memref<100000x512xf32, #tpu.memory_space<hbm>>
    tpu.wait_indirect_dma semaphore(%arg7 : memref<!tpu.dma_semaphore, #tpu.memory_space<semaphore_mem>>) src(%dma_wait3A_40 : memref<100000x512xf32, #tpu.memory_space<hbm>>) dst(%dma_wait3A_35 : memref<64x512xf32, #tpu.memory_space<vmem>>)
    %dma_start3A_41 = arith.constant 0 : i32
    %dma_start3A_42 = arith.constant 0 : i32
    %dma_start3A_43 = arith.constant 0 : i32
    %dma_start3A_44 = tpu.memref_slice %arg6[%dma_start3A_41, %dma_start3A_42, %dma_start3A_43] : memref<3x64x512xf32, #tpu.memory_space<vmem>> -> memref<1x64x512xf32, #tpu.memory_space<vmem>>
    %dma_start3A_45 = tpu.memref_squeeze %dma_start3A_44 : memref<1x64x512xf32, #tpu.memory_space<vmem>> -> memref<64x512xf32, #tpu.memory_space<vmem>>
    %dma_start3A_46 = arith.constant 192 : i32
    %dma_start3A_47 = tpu.memref_slice %arg5[%dma_start3A_46] : memref<512xi32, #tpu.memory_space<vmem>> -> memref<64xi32, #tpu.memory_space<vmem>>
    %dma_start3A_48 = arith.constant 0 : i32
    %dma_start3A_49 = arith.constant 0 : i32
    %dma_start3A_50 = tpu.memref_slice %arg2[%dma_start3A_48, %dma_start3A_49] : memref<100000x512xf32, #tpu.memory_space<hbm>> -> memref<100000x512xf32, #tpu.memory_space<hbm>>
    tpu.enqueue_indirect_dma source(%dma_start3A_50 : memref<100000x512xf32, #tpu.memory_space<hbm>>) target(%dma_start3A_45 : memref<64x512xf32, #tpu.memory_space<vmem>>) offsets(%dma_start3A_47 : memref<64xi32, #tpu.memory_space<vmem>>) semaphore(%arg7 : memref<!tpu.dma_semaphore, #tpu.memory_space<semaphore_mem>>)
    %dma_wait3A_51 = arith.constant 1 : i32
    %dma_wait3A_52 = arith.constant 0 : i32
    %dma_wait3A_53 = arith.constant 0 : i32
    %dma_wait3A_54 = tpu.memref_slice %arg6[%dma_wait3A_51, %dma_wait3A_52, %dma_wait3A_53] : memref<3x64x512xf32, #tpu.memory_space<vmem>> -> memref<1x64x512xf32, #tpu.memory_space<vmem>>
    %dma_wait3A_55 = tpu.memref_squeeze %dma_wait3A_54 : memref<1x64x512xf32, #tpu.memory_space<vmem>> -> memref<64x512xf32, #tpu.memory_space<vmem>>
    %dma_wait3A_56 = arith.constant 64 : i32
    %dma_wait3A_57 = tpu.memref_slice %arg5[%dma_wait3A_56] : memref<512xi32, #tpu.memory_space<vmem>> -> memref<64xi32, #tpu.memory_space<vmem>>
    %dma_wait3A_58 = arith.constant 0 : i32
    %dma_wait3A_59 = arith.constant 0 : i32
    %dma_wait3A_60 = tpu.memref_slice %arg2[%dma_wait3A_58, %dma_wait3A_59] : memref<100000x512xf32, #tpu.memory_space<hbm>> -> memref<100000x512xf32, #tpu.memory_space<hbm>>
    tpu.wait_indirect_dma semaphore(%arg8 : memref<!tpu.dma_semaphore, #tpu.memory_space<semaphore_mem>>) src(%dma_wait3A_60 : memref<100000x512xf32, #tpu.memory_space<hbm>>) dst(%dma_wait3A_55 : memref<64x512xf32, #tpu.memory_space<vmem>>)
    %dma_start3A_61 = arith.constant 1 : i32
    %dma_start3A_62 = arith.constant 0 : i32
    %dma_start3A_63 = arith.constant 0 : i32
    %dma_start3A_64 = tpu.memref_slice %arg6[%dma_start3A_61, %dma_start3A_62, %dma_start3A_63] : memref<3x64x512xf32, #tpu.memory_space<vmem>> -> memref<1x64x512xf32, #tpu.memory_space<vmem>>
    %dma_start3A_65 = tpu.memref_squeeze %dma_start3A_64 : memref<1x64x512xf32, #tpu.memory_space<vmem>> -> memref<64x512xf32, #tpu.memory_space<vmem>>
    %dma_start3A_66 = arith.constant 256 : i32
    %dma_start3A_67 = tpu.memref_slice %arg5[%dma_start3A_66] : memref<512xi32, #tpu.memory_space<vmem>> -> memref<64xi32, #tpu.memory_space<vmem>>
    %dma_start3A_68 = arith.constant 0 : i32
    %dma_start3A_69 = arith.constant 0 : i32
    %dma_start3A_70 = tpu.memref_slice %arg2[%dma_start3A_68, %dma_start3A_69] : memref<100000x512xf32, #tpu.memory_space<hbm>> -> memref<100000x512xf32, #tpu.memory_space<hbm>>
    tpu.enqueue_indirect_dma source(%dma_start3A_70 : memref<100000x512xf32, #tpu.memory_space<hbm>>) target(%dma_start3A_65 : memref<64x512xf32, #tpu.memory_space<vmem>>) offsets(%dma_start3A_67 : memref<64xi32, #tpu.memory_space<vmem>>) semaphore(%arg8 : memref<!tpu.dma_semaphore, #tpu.memory_space<semaphore_mem>>)
    %dma_wait3A_71 = arith.constant 2 : i32
    %dma_wait3A_72 = arith.constant 0 : i32
    %dma_wait3A_73 = arith.constant 0 : i32
    %dma_wait3A_74 = tpu.memref_slice %arg6[%dma_wait3A_71, %dma_wait3A_72, %dma_wait3A_73] : memref<3x64x512xf32, #tpu.memory_space<vmem>> -> memref<1x64x512xf32, #tpu.memory_space<vmem>>
    %dma_wait3A_75 = tpu.memref_squeeze %dma_wait3A_74 : memref<1x64x512xf32, #tpu.memory_space<vmem>> -> memref<64x512xf32, #tpu.memory_space<vmem>>
    %dma_wait3A_76 = arith.constant 128 : i32
    %dma_wait3A_77 = tpu.memref_slice %arg5[%dma_wait3A_76] : memref<512xi32, #tpu.memory_space<vmem>> -> memref<64xi32, #tpu.memory_space<vmem>>
    %dma_wait3A_78 = arith.constant 0 : i32
    %dma_wait3A_79 = arith.constant 0 : i32
    %dma_wait3A_80 = tpu.memref_slice %arg2[%dma_wait3A_78, %dma_wait3A_79] : memref<100000x512xf32, #tpu.memory_space<hbm>> -> memref<100000x512xf32, #tpu.memory_space<hbm>>
    tpu.wait_indirect_dma semaphore(%arg9 : memref<!tpu.dma_semaphore, #tpu.memory_space<semaphore_mem>>) src(%dma_wait3A_80 : memref<100000x512xf32, #tpu.memory_space<hbm>>) dst(%dma_wait3A_75 : memref<64x512xf32, #tpu.memory_space<vmem>>)
    %dma_start3A_81 = arith.constant 2 : i32
    %dma_start3A_82 = arith.constant 0 : i32
    %dma_start3A_83 = arith.constant 0 : i32
    %dma_start3A_84 = tpu.memref_slice %arg6[%dma_start3A_81, %dma_start3A_82, %dma_start3A_83] : memref<3x64x512xf32, #tpu.memory_space<vmem>> -> memref<1x64x512xf32, #tpu.memory_space<vmem>>
    %dma_start3A_85 = tpu.memref_squeeze %dma_start3A_84 : memref<1x64x512xf32, #tpu.memory_space<vmem>> -> memref<64x512xf32, #tpu.memory_space<vmem>>
    %dma_start3A_86 = arith.constant 320 : i32
    %dma_start3A_87 = tpu.memref_slice %arg5[%dma_start3A_86] : memref<512xi32, #tpu.memory_space<vmem>> -> memref<64xi32, #tpu.memory_space<vmem>>
    %dma_start3A_88 = arith.constant 0 : i32
    %dma_start3A_89 = arith.constant 0 : i32
    %dma_start3A_90 = tpu.memref_slice %arg2[%dma_start3A_88, %dma_start3A_89] : memref<100000x512xf32, #tpu.memory_space<hbm>> -> memref<100000x512xf32, #tpu.memory_space<hbm>>
    tpu.enqueue_indirect_dma source(%dma_start3A_90 : memref<100000x512xf32, #tpu.memory_space<hbm>>) target(%dma_start3A_85 : memref<64x512xf32, #tpu.memory_space<vmem>>) offsets(%dma_start3A_87 : memref<64xi32, #tpu.memory_space<vmem>>) semaphore(%arg9 : memref<!tpu.dma_semaphore, #tpu.memory_space<semaphore_mem>>)
    %dma_wait3A_91 = arith.constant 0 : i32
    %dma_wait3A_92 = arith.constant 0 : i32
    %dma_wait3A_93 = arith.constant 0 : i32
    %dma_wait3A_94 = tpu.memref_slice %arg6[%dma_wait3A_91, %dma_wait3A_92, %dma_wait3A_93] : memref<3x64x512xf32, #tpu.memory_space<vmem>> -> memref<1x64x512xf32, #tpu.memory_space<vmem>>
    %dma_wait3A_95 = tpu.memref_squeeze %dma_wait3A_94 : memref<1x64x512xf32, #tpu.memory_space<vmem>> -> memref<64x512xf32, #tpu.memory_space<vmem>>
    %dma_wait3A_96 = arith.constant 192 : i32
    %dma_wait3A_97 = tpu.memref_slice %arg5[%dma_wait3A_96] : memref<512xi32, #tpu.memory_space<vmem>> -> memref<64xi32, #tpu.memory_space<vmem>>
    %dma_wait3A_98 = arith.constant 0 : i32
    %dma_wait3A_99 = arith.constant 0 : i32
    %dma_wait3A_100 = tpu.memref_slice %arg2[%dma_wait3A_98, %dma_wait3A_99] : memref<100000x512xf32, #tpu.memory_space<hbm>> -> memref<100000x512xf32, #tpu.memory_space<hbm>>
    tpu.wait_indirect_dma semaphore(%arg7 : memref<!tpu.dma_semaphore, #tpu.memory_space<semaphore_mem>>) src(%dma_wait3A_100 : memref<100000x512xf32, #tpu.memory_space<hbm>>) dst(%dma_wait3A_95 : memref<64x512xf32, #tpu.memory_space<vmem>>)
    %dma_start3A_101 = arith.constant 0 : i32
    %dma_start3A_102 = arith.constant 0 : i32
    %dma_start3A_103 = arith.constant 0 : i32
    %dma_start3A_104 = tpu.memref_slice %arg6[%dma_start3A_101, %dma_start3A_102, %dma_start3A_103] : memref<3x64x512xf32, #tpu.memory_space<vmem>> -> memref<1x64x512xf32, #tpu.memory_space<vmem>>
    %dma_start3A_105 = tpu.memref_squeeze %dma_start3A_104 : memref<1x64x512xf32, #tpu.memory_space<vmem>> -> memref<64x512xf32, #tpu.memory_space<vmem>>
    %dma_start3A_106 = arith.constant 384 : i32
    %dma_start3A_107 = tpu.memref_slice %arg5[%dma_start3A_106] : memref<512xi32, #tpu.memory_space<vmem>> -> memref<64xi32, #tpu.memory_space<vmem>>
    %dma_start3A_108 = arith.constant 0 : i32
    %dma_start3A_109 = arith.constant 0 : i32
    %dma_start3A_110 = tpu.memref_slice %arg2[%dma_start3A_108, %dma_start3A_109] : memref<100000x512xf32, #tpu.memory_space<hbm>> -> memref<100000x512xf32, #tpu.memory_space<hbm>>
    tpu.enqueue_indirect_dma source(%dma_start3A_110 : memref<100000x512xf32, #tpu.memory_space<hbm>>) target(%dma_start3A_105 : memref<64x512xf32, #tpu.memory_space<vmem>>) offsets(%dma_start3A_107 : memref<64xi32, #tpu.memory_space<vmem>>) semaphore(%arg7 : memref<!tpu.dma_semaphore, #tpu.memory_space<semaphore_mem>>)
    %dma_wait3A_111 = arith.constant 1 : i32
    %dma_wait3A_112 = arith.constant 0 : i32
    %dma_wait3A_113 = arith.constant 0 : i32
    %dma_wait3A_114 = tpu.memref_slice %arg6[%dma_wait3A_111, %dma_wait3A_112, %dma_wait3A_113] : memref<3x64x512xf32, #tpu.memory_space<vmem>> -> memref<1x64x512xf32, #tpu.memory_space<vmem>>
    %dma_wait3A_115 = tpu.memref_squeeze %dma_wait3A_114 : memref<1x64x512xf32, #tpu.memory_space<vmem>> -> memref<64x512xf32, #tpu.memory_space<vmem>>
    %dma_wait3A_116 = arith.constant 256 : i32
    %dma_wait3A_117 = tpu.memref_slice %arg5[%dma_wait3A_116] : memref<512xi32, #tpu.memory_space<vmem>> -> memref<64xi32, #tpu.memory_space<vmem>>
    %dma_wait3A_118 = arith.constant 0 : i32
    %dma_wait3A_119 = arith.constant 0 : i32
    %dma_wait3A_120 = tpu.memref_slice %arg2[%dma_wait3A_118, %dma_wait3A_119] : memref<100000x512xf32, #tpu.memory_space<hbm>> -> memref<100000x512xf32, #tpu.memory_space<hbm>>
    tpu.wait_indirect_dma semaphore(%arg8 : memref<!tpu.dma_semaphore, #tpu.memory_space<semaphore_mem>>) src(%dma_wait3A_120 : memref<100000x512xf32, #tpu.memory_space<hbm>>) dst(%dma_wait3A_115 : memref<64x512xf32, #tpu.memory_space<vmem>>)
    %dma_start3A_121 = arith.constant 1 : i32
    %dma_start3A_122 = arith.constant 0 : i32
    %dma_start3A_123 = arith.constant 0 : i32
    %dma_start3A_124 = tpu.memref_slice %arg6[%dma_start3A_121, %dma_start3A_122, %dma_start3A_123] : memref<3x64x512xf32, #tpu.memory_space<vmem>> -> memref<1x64x512xf32, #tpu.memory_space<vmem>>
    %dma_start3A_125 = tpu.memref_squeeze %dma_start3A_124 : memref<1x64x512xf32, #tpu.memory_space<vmem>> -> memref<64x512xf32, #tpu.memory_space<vmem>>
    %dma_start3A_126 = arith.constant 448 : i32
    %dma_start3A_127 = tpu.memref_slice %arg5[%dma_start3A_126] : memref<512xi32, #tpu.memory_space<vmem>> -> memref<64xi32, #tpu.memory_space<vmem>>
    %dma_start3A_128 = arith.constant 0 : i32
    %dma_start3A_129 = arith.constant 0 : i32
    %dma_start3A_130 = tpu.memref_slice %arg2[%dma_start3A_128, %dma_start3A_129] : memref<100000x512xf32, #tpu.memory_space<hbm>> -> memref<100000x512xf32, #tpu.memory_space<hbm>>
    tpu.enqueue_indirect_dma source(%dma_start3A_130 : memref<100000x512xf32, #tpu.memory_space<hbm>>) target(%dma_start3A_125 : memref<64x512xf32, #tpu.memory_space<vmem>>) offsets(%dma_start3A_127 : memref<64xi32, #tpu.memory_space<vmem>>) semaphore(%arg8 : memref<!tpu.dma_semaphore, #tpu.memory_space<semaphore_mem>>)
    %dma_wait3A_131 = arith.constant 2 : i32
    %dma_wait3A_132 = arith.constant 0 : i32
    %dma_wait3A_133 = arith.constant 0 : i32
    %dma_wait3A_134 = tpu.memref_slice %arg6[%dma_wait3A_131, %dma_wait3A_132, %dma_wait3A_133] : memref<3x64x512xf32, #tpu.memory_space<vmem>> -> memref<1x64x512xf32, #tpu.memory_space<vmem>>
    %dma_wait3A_135 = tpu.memref_squeeze %dma_wait3A_134 : memref<1x64x512xf32, #tpu.memory_space<vmem>> -> memref<64x512xf32, #tpu.memory_space<vmem>>
    %dma_wait3A_136 = arith.constant 320 : i32
    %dma_wait3A_137 = tpu.memref_slice %arg5[%dma_wait3A_136] : memref<512xi32, #tpu.memory_space<vmem>> -> memref<64xi32, #tpu.memory_space<vmem>>
    %dma_wait3A_138 = arith.constant 0 : i32
    %dma_wait3A_139 = arith.constant 0 : i32
    %dma_wait3A_140 = tpu.memref_slice %arg2[%dma_wait3A_138, %dma_wait3A_139] : memref<100000x512xf32, #tpu.memory_space<hbm>> -> memref<100000x512xf32, #tpu.memory_space<hbm>>
    tpu.wait_indirect_dma semaphore(%arg9 : memref<!tpu.dma_semaphore, #tpu.memory_space<semaphore_mem>>) src(%dma_wait3A_140 : memref<100000x512xf32, #tpu.memory_space<hbm>>) dst(%dma_wait3A_135 : memref<64x512xf32, #tpu.memory_space<vmem>>)
    %dma_wait3A_141 = arith.constant 0 : i32
    %dma_wait3A_142 = arith.constant 0 : i32
    %dma_wait3A_143 = arith.constant 0 : i32
    %dma_wait3A_144 = tpu.memref_slice %arg6[%dma_wait3A_141, %dma_wait3A_142, %dma_wait3A_143] : memref<3x64x512xf32, #tpu.memory_space<vmem>> -> memref<1x64x512xf32, #tpu.memory_space<vmem>>
    %dma_wait3A_145 = tpu.memref_squeeze %dma_wait3A_144 : memref<1x64x512xf32, #tpu.memory_space<vmem>> -> memref<64x512xf32, #tpu.memory_space<vmem>>
    %dma_wait3A_146 = arith.constant 384 : i32
    %dma_wait3A_147 = tpu.memref_slice %arg5[%dma_wait3A_146] : memref<512xi32, #tpu.memory_space<vmem>> -> memref<64xi32, #tpu.memory_space<vmem>>
    %dma_wait3A_148 = arith.constant 0 : i32
    %dma_wait3A_149 = arith.constant 0 : i32
    %dma_wait3A_150 = tpu.memref_slice %arg2[%dma_wait3A_148, %dma_wait3A_149] : memref<100000x512xf32, #tpu.memory_space<hbm>> -> memref<100000x512xf32, #tpu.memory_space<hbm>>
    tpu.wait_indirect_dma semaphore(%arg7 : memref<!tpu.dma_semaphore, #tpu.memory_space<semaphore_mem>>) src(%dma_wait3A_150 : memref<100000x512xf32, #tpu.memory_space<hbm>>) dst(%dma_wait3A_145 : memref<64x512xf32, #tpu.memory_space<vmem>>)
    %dma_wait3A_151 = arith.constant 1 : i32
    %dma_wait3A_152 = arith.constant 0 : i32
    %dma_wait3A_153 = arith.constant 0 : i32
    %dma_wait3A_154 = tpu.memref_slice %arg6[%dma_wait3A_151, %dma_wait3A_152, %dma_wait3A_153] : memref<3x64x512xf32, #tpu.memory_space<vmem>> -> memref<1x64x512xf32, #tpu.memory_space<vmem>>
    %dma_wait3A_155 = tpu.memref_squeeze %dma_wait3A_154 : memref<1x64x512xf32, #tpu.memory_space<vmem>> -> memref<64x512xf32, #tpu.memory_space<vmem>>
    %dma_wait3A_156 = arith.constant 448 : i32
    %dma_wait3A_157 = tpu.memref_slice %arg5[%dma_wait3A_156] : memref<512xi32, #tpu.memory_space<vmem>> -> memref<64xi32, #tpu.memory_space<vmem>>
    %dma_wait3A_158 = arith.constant 0 : i32
    %dma_wait3A_159 = arith.constant 0 : i32
    %dma_wait3A_160 = tpu.memref_slice %arg2[%dma_wait3A_158, %dma_wait3A_159] : memref<100000x512xf32, #tpu.memory_space<hbm>> -> memref<100000x512xf32, #tpu.memory_space<hbm>>
    tpu.wait_indirect_dma semaphore(%arg8 : memref<!tpu.dma_semaphore, #tpu.memory_space<semaphore_mem>>) src(%dma_wait3A_160 : memref<100000x512xf32, #tpu.memory_space<hbm>>) dst(%dma_wait3A_155 : memref<64x512xf32, #tpu.memory_space<vmem>>)
    %add3A_161 = arith.constant 0 : i32
    %add3A_162 = arith.addi %mul3A_2, %add3A_161 : i32
    %dma_start3A_163 = arith.constant 0 : i32
    %dma_start3A_164 = arith.constant 0 : i32
    %dma_start3A_165 = arith.constant 0 : i32
    %dma_start3A_166 = tpu.memref_slice %arg6[%dma_start3A_163, %dma_start3A_164, %dma_start3A_165] : memref<3x64x512xf32, #tpu.memory_space<vmem>> -> memref<1x64x512xf32, #tpu.memory_space<vmem>>
    %dma_start3A_167 = tpu.memref_squeeze %dma_start3A_166 : memref<1x64x512xf32, #tpu.memory_space<vmem>> -> memref<64x512xf32, #tpu.memory_space<vmem>>
    %dma_start3A_168 = arith.constant 0 : i32
    %dma_start3A_169 = tpu.memref_slice %arg4[%add3A_162, %dma_start3A_168] : memref<16384x512xf32, #tpu.memory_space<hbm>> -> memref<64x512xf32, #tpu.memory_space<hbm>>
    %dma_start3A_170 = arith.constant 0 : i32
    %dma_start3A_171 = tpu.memref_slice %arg4[%add3A_162, %dma_start3A_170] : memref<16384x512xf32, #tpu.memory_space<hbm>> -> memref<64x512xf32, #tpu.memory_space<hbm>>
    %dma_start3A_172 = arith.constant 0 : i32
    %dma_start3A_173 = arith.constant 0 : i32
    %dma_start3A_174 = tpu.memref_slice %arg6[%dma_start3A_163, %dma_start3A_172, %dma_start3A_173] : memref<3x64x512xf32, #tpu.memory_space<vmem>> -> memref<1x64x512xf32, #tpu.memory_space<vmem>>
    %dma_start3A_175 = tpu.memref_squeeze %dma_start3A_174 : memref<1x64x512xf32, #tpu.memory_space<vmem>> -> memref<64x512xf32, #tpu.memory_space<vmem>>
    tpu.enqueue_dma source(%dma_start3A_175 : memref<64x512xf32, #tpu.memory_space<vmem>>) target(%dma_start3A_171 : memref<64x512xf32, #tpu.memory_space<hbm>>) target_semaphore(%arg10 : memref<!tpu.dma_semaphore, #tpu.memory_space<semaphore_mem>>)
    %add3A_176 = arith.constant 0 : i32
    %add3A_177 = arith.addi %mul3A_2, %add3A_176 : i32
    %dma_wait3A_178 = arith.constant 0 : i32
    %dma_wait3A_179 = arith.constant 0 : i32
    %dma_wait3A_180 = arith.constant 0 : i32
    %dma_wait3A_181 = tpu.memref_slice %arg6[%dma_wait3A_178, %dma_wait3A_179, %dma_wait3A_180] : memref<3x64x512xf32, #tpu.memory_space<vmem>> -> memref<1x64x512xf32, #tpu.memory_space<vmem>>
    %dma_wait3A_182 = tpu.memref_squeeze %dma_wait3A_181 : memref<1x64x512xf32, #tpu.memory_space<vmem>> -> memref<64x512xf32, #tpu.memory_space<vmem>>
    %dma_wait3A_183 = arith.constant 0 : i32
    %dma_wait3A_184 = tpu.memref_slice %arg4[%add3A_177, %dma_wait3A_183] : memref<16384x512xf32, #tpu.memory_space<hbm>> -> memref<64x512xf32, #tpu.memory_space<hbm>>
    %dma_wait3A_185 = arith.constant 0 : i32
    %dma_wait3A_186 = tpu.memref_slice %arg4[%add3A_177, %dma_wait3A_185] : memref<16384x512xf32, #tpu.memory_space<hbm>> -> memref<64x512xf32, #tpu.memory_space<hbm>>
    %dma_wait3A_187 = arith.constant 0 : i32
    %dma_wait3A_188 = arith.constant 0 : i32
    %dma_wait3A_189 = tpu.memref_slice %arg6[%dma_wait3A_178, %dma_wait3A_187, %dma_wait3A_188] : memref<3x64x512xf32, #tpu.memory_space<vmem>> -> memref<1x64x512xf32, #tpu.memory_space<vmem>>
    %dma_wait3A_190 = tpu.memref_squeeze %dma_wait3A_189 : memref<1x64x512xf32, #tpu.memory_space<vmem>> -> memref<64x512xf32, #tpu.memory_space<vmem>>
    tpu.wait_dma2 semaphore(%arg10 : memref<!tpu.dma_semaphore, #tpu.memory_space<semaphore_mem>>) src(%dma_wait3A_190 : memref<64x512xf32, #tpu.memory_space<vmem>>) dst(%dma_wait3A_186 : memref<64x512xf32, #tpu.memory_space<hbm>>)
    return
  }
}

</mosaic_0001>

<sc_bundles>
// kernel: kernel.3.cloned.1.call-start
scs
__scs_entry_jumppad:
0x0: {  	(pc) =	sbr.rel $0x88, $3  }
0x1: {  	(tag) =	ssettag $0x0;
	lr =	simm.s32 $0x1  }
0x2: {  	[smem:$0x3F9F] =	sst lr;
	_ =	strace $0xD0000000  }
0x3: {  	_ = 	snop  }
0x4: {  	_ = 	snop  }
0x5: {  	_ = 	snop  }
0x6: {  	_ = 	snop  }
0x7: {  	_ = 	snop  }
__scs_overlays_trampoline_lowered:
0x8: {  	[smem:$0x3FAE] =	sst s0  }
0x9: {  	[smem:$0x3FAF] =	sst s1  }
0xa: {  	[smem:$0x3FB0] =	sst s2  }
0xb: {  	[smem:$0x3FB1] =	sst s3  }
0xc: {  	[smem:$0x3FB2] =	sst s4  }
0xd: {  	[smem:$0x3FB3] =	sst s5  }
0xe: {  	[smem:$0x3FB4] =	sst s6  }
0xf: {  	[smem:$0x3FB5] =	sst s7  }
0x10: {  	[smem:$0x3FB6] =	sst s8  }
0x11: {  	[smem:$0x3FB7] =	sst s9;
	s0 =	simm.s32 @!p0 $0x0  }
0x12: {  	s1 =	sld [smem:$0x3F9D];
	s0 =	simm.s32 @p0 $0x1  }
0x13: {  	[smem:$0x3FB8] =	sst s0;
	s0 =	simm.s32 @!p1 $0x0  }
0x14: {  	s2 =	sld [smem:$0x3F9C];
	s0 =	simm.s32 @p1 $0x1  }
0x15: {  	[smem:$0x3FB9] =	sst s0;
	s0 =	simm.s32 @!p2 $0x0  }
0x16: {  	s3 =	sld [smem:$0x3FDB];
	s0 =	simm.s32 @p2 $0x1  }
0x17: {  	s4 =	simm.s32 $0x1BF5;
	[smem:$0x3FBB] =	sst s0  }
0x18: {  	s0 =	sld [smem:$0x3F9E];
	_ =	swait.ge [sflag:s4], $0x0  }
0x19: {  	s7 =	sld [smem:$0x3F9F]  }
0x1a: {  	s8 =	sadd.s32 $0xFFFFE003, lr  }
0x1b: {  	s9 =	sadd.s32 $0xFFFFFEF7, lr;
	s5 =	simm.s32 $0xFFFFFFFF;
	p2 =	slt.u32 s8, $0xFFFFF086  }
0x1c: {  	p1 =	slt.u32 s9, $0xF7A;
	s5 =	simm.s32 @!p2 $0x0  }
0x1d: {  	s5 =	simm.s32 @p1 $0x1;
	p0 =	seq.s32 s7, s2  }
0x1e: {  	s7 =	smul.u32 @!p0 $0xF7A, s2;
	p2 =	seq.s32 @!p0 s5, $0x0  }
0x1f: {  	s9 =	smul.u32 $0xF7A, s1;
	s8 =	simm.s32 @!p0 $0x1BF5;
	p2 =	por !p2, p0  }
0x20: {  	[sflag:s8] =	ssyncset.s32 @!p0 $0xFFFFF086;
	s6 =	sadd.s32 @!p0 s3, s7;
	s7 =	simm.s32 @!p0 $0x108  }
0x21: {  	s3 =	sadd.s32 s3, s9;
	s6 =	sadd.s32 @!p0 $0x88, s6;
	s7 =	simm.s32 @p2 $0x1082  }
0x22: {  	[simem:s7], [sflag:s8] =	dma.local @!p0 [hbm:s6], $0xF7A  }
0x23: {  	s9 =	sor.u32 $0xD0000000, s2;
	s6 =	simm.s32 $0x108;
	_ =	swait.ge @!p0 [sflag:s8], $0x0  }
0x24: {  	s3 =	sadd.s32 $0x88, s3;
	s6 =	simm.s32 @!p1 $0x1082;
	[sflag:s4] =	ssyncset.s32 $0xFFFFF086  }
0x25: {  	[simem:s6], [sflag:s4] =	dma.local [hbm:s3], $0xF7A  }
0x26: {  	[smem:$0x3F9F] =	sst s1;
	(tag) =	ssettag s2;
	_ =	strace s9  }
0x27: {  	s1 =	sld [smem:$0x3FAF]  }
0x28: {  	s2 =	sld [smem:$0x3FB0]  }
0x29: {  	s4 =	sld [smem:$0x3FB2]  }
0x2a: {  	p0 =	seq.s32 s5, $0x0;
	s5 =	sld [smem:$0x3FB3]  }
0x2b: {  	s6 =	sld [smem:$0x3FB4]  }
0x2c: {  	s7 =	sld [smem:$0x3FB5]  }
0x2d: {  	s3 =	simm.s32 $0x108;
	s8 =	sld [smem:$0x3FB6]  }
0x2e: {  	s3 =	simm.s32 @!p0 $0x1082;
	s9 =	sld [smem:$0x3FB7]  }
0x2f: {  	lr =	sadd.s32 s0, s3;
	s0 =	sld [smem:$0x3FAE]  }
0x30: {  	s3 =	sld [smem:$0x3FB1]  }
0x31: {  	[smem:$0x3FBA] =	sst s10  }
0x32: {  	s10 =	sld [smem:$0x3FB8];
	_ =	sdelay $0x3  }
0x33: {  	p0 =	seq.s32 s10, $0x1;
	s10 =	sld [smem:$0x3FBA];
	_ =	sdelay $0x3  }
0x34: {  	[smem:$0x3FBA] =	sst s10  }
0x35: {  	s10 =	sld [smem:$0x3FB9];
	_ =	sdelay $0x3  }
0x36: {  	p1 =	seq.s32 s10, $0x1;
	s10 =	sld [smem:$0x3FBA];
	_ =	sdelay $0x3  }
0x37: {  	[smem:$0x3FBA] =	sst s10  }
0x38: {  	s10 =	sld [smem:$0x3FBB]  }
0x39: {  	_ = 	snop;
	(pc) =	sbr.ind lr, $3  }
0x3a: {  	_ = 	snop  }
0x3b: {  	_ = 	snop  }
0x3c: {  	p2 =	seq.s32 s10, $0x1;
	s10 =	sld [smem:$0x3FBA]  }
0x3d: {  	_ =	shalt  }
0x3e: {  	_ =	shalt  }
0x3f: {  	_ =	shalt  }
0x40: {  	_ =	shalt  }
0x41: {  	_ =	shalt  }
0x42: {  	_ =	shalt  }
0x43: {  	_ =	shalt  }
0x44: {  	_ =	shalt  }
0x45: {  	_ =	shalt  }
0x46: {  	_ =	shalt  }
0x47: {  	_ =	shalt  }
0x48: {  	_ =	shalt  }
0x49: {  	_ =	shalt  }
0x4a: {  	_ =	shalt  }
0x4b: {  	_ =	shalt  }
0x4c: {  	_ =	shalt  }
0x4d: {  	_ =	shalt  }
0x4e: {  	_ =	shalt  }
0x4f: {  	_ =	shalt  }
0x50: {  	_ =	shalt  }
0x51: {  	_ =	shalt  }
0x52: {  	_ =	shalt  }
0x53: {  	_ =	shalt  }
0x54: {  	_ =	shalt  }
0x55: {  	_ =	shalt  }
0x56: {  	_ =	shalt  }
0x57: {  	_ =	shalt  }
0x58: {  	_ =	shalt  }
0x59: {  	_ =	shalt  }
0x5a: {  	_ =	shalt  }
0x5b: {  	_ =	shalt  }
0x5c: {  	_ =	shalt  }
0x5d: {  	_ =	shalt  }
0x5e: {  	_ =	shalt  }
0x5f: {  	_ =	shalt  }
0x60: {  	_ =	shalt  }
0x61: {  	_ =	shalt  }
0x62: {  	_ =	shalt  }
0x63: {  	_ =	shalt  }
0x64: {  	_ =	shalt  }
0x65: {  	_ =	shalt  }
0x66: {  	_ =	shalt  }
0x67: {  	_ =	shalt  }
0x68: {  	_ =	shalt  }
0x69: {  	_ =	shalt  }
0x6a: {  	_ =	shalt  }
0x6b: {  	_ =	shalt  }
0x6c: {  	_ =	shalt  }
0x6d: {  	_ =	shalt  }
0x6e: {  	_ =	shalt  }
0x6f: {  	_ =	shalt  }
0x70: {  	_ =	shalt  }
0x71: {  	_ =	shalt  }
0x72: {  	_ =	shalt  }
0x73: {  	_ =	shalt  }
0x74: {  	_ =	shalt  }
0x75: {  	_ =	shalt  }
0x76: {  	_ =	shalt  }
0x77: {  	_ =	shalt  }
0x78: {  	_ =	shalt  }
0x79: {  	_ =	shalt  }
0x7a: {  	_ =	shalt  }
0x7b: {  	_ =	shalt  }
0x7c: {  	_ =	shalt  }
0x7d: {  	_ =	shalt  }
0x7e: {  	_ =	shalt  }
0x7f: {  	_ =	shalt  }
0x80: {  	_ =	shalt  }
0x81: {  	_ =	shalt  }
0x82: {  	_ =	shalt  }
0x83: {  	_ =	shalt  }
0x84: {  	_ =	shalt  }
0x85: {  	_ =	shalt  }
0x86: {  	_ =	shalt  }
0x87: {  	_ =	shalt  }
.Lfunc_end0:
.L_simem_size_0:
called_computation_lowered:
.L_overlay_start_0:
0x88: {  	s2 =	sld [smem:$0x3FD9]  }
0x89: {  	s3 =	sld [smem:$0x3FFE];
	_ =	sdelay $0x1  }
0x8a: {  	s1 =	srdreg.scid  }
0x8b: {  	s0 =	sand.u32 $0x1, s1  }
0x8c: {  	s18 =	sshll.u32 s0, $0xA;
	s2 =	sadd.s32 s3, s2  }
0x8d: {  	s2 =	sadd.s32 s2, s18  }
0x8e: {  	[smem:$0x3FC6] =	sst s2  }
0x8f: {  	_ = 	snop  }
0x90: {  	s2 =	sld [smem:$0x3FC9]  }
0x91: {  	s19 =	sld [smem:$0x3FC8]  }
0x92: {  	s4 =	sld [smem:$0x3FD0];
	(tm) =	ssettm $0x1  }
0x93: {  	s5 =	sld [smem:$0x3FFB];
	_ =	sdelay $0x3  }
0x94: {  	_ =	strace s5  }
0x95: {  	s5 =	sld [smem:$0x3FFC];
	_ =	sdelay $0x3  }
0x96: {  	_ =	strace s5  }
0x97: {  	s5 =	sld [smem:$0x3FFD];
	_ =	sdelay $0x3  }
0x98: {  	_ =	strace s5  }
0x99: {  	_ =	strace $0x8FFFFFFF  }
0x9a: {  	s20 =	sld [smem:$0x3FDB];
	_ =	sdelay $0x1  }
0x9b: {  	s6 =	simm.s32 $_scs_section_size  }
0x9c: {  	s7 =	simm.s32 $_size__tile_overlayer_lowered;
	s8 =	simm.s32 $_tile_overlayer_lowered  }
0x9d: {  	s23 =	simm.s32 $0x1BFF;
	s22 =	sshll.u32 s8, $0x1;
	s5 =	sadd.s32 s6, s20  }
0x9e: {  	s9 =	simm.s32 $0x0;
	s21 =	sshll.u32 s7, $0x1;
	s7 =	sadd.s32 s22, s5  }
0x9f: {  	[timem:s9], [sflag:s23] =	dma.local [hbm:s7], s21  }
0xa0: {  	_ =	swait.ge [sflag:s23], s21  }
0xa1: {  	s6 =	ssub.s32 $0x0, s21;
	[sflag:s23] =	ssyncset.done $0x0  }
0xa2: {  	[sflag:s23] =	ssyncadd.s32 s6;
	_ =	sdelay $0x1  }
0xa3: {  	s24 =	simm.s32 $0x1B8B  }
0xa4: {  	_ =	swait.ge [sflag:s24], $0x1  }
0xa5: {  	[sflag:s24] =	ssyncset.done $0x0  }
0xa6: {  	s25 =	simm.s32 $0x1B8E;
	[sflag:s24] =	ssyncadd.s32 $0xFFFFFFFF  }
0xa7: {  	s26 =	simm.s32 $execute0_lowered;
	[smem:$0x3FD2] =	sst s25  }
0xa8: {  	s6 =	sshll.u32 s26, $0x1;
	_ =	strace $0x80000046;
	[dreg:$0x1] =	wrdreg $0xFFFFFFFF  }
0xa9: {  	s28 =	simm.s32 $_size_execute0_lowered;
	s5 =	sadd.s32 s5, s6;
	[dreg:$0x0] =	wrdreg $0x0  }
0xaa: {  	s6 =	sshll.u32 s28, $0x1;
	[dreg:$0x2] =	wrdreg s5  }
0xab: {  	[dreg:$0x3] =	wrdreg s6  }
0xac: {  	[dreg:$0x4] =	wrdreg $0xC0  }
0xad: {  	_ =	task [dreg:s9], $0x5FFFF  }
0xae: {  	[dreg:$0x1] =	wrdreg $0xFFFFFFFF  }
0xaf: {  	[dreg:$0x0] =	wrdreg $0x60  }
0xb0: {  	[dreg:$0x2] =	wrdreg s2  }
0xb1: {  	[dreg:$0x3] =	wrdreg s19  }
0xb2: {  	[dreg:$0x4] =	wrdreg s4  }
0xb3: {  	[dreg:$0x5] =	wrdreg $0x9  }
0xb4: {  	_ =	task.clear_ibuf [dreg:s9], $0x6FFFF;
	_ =	strace $0x90000046  }
0xb5: {  	s29 =	simm.s32 $0x9;
	_ =	strace $0x80000048  }
0xb6: {  	_ =	swait.ge [sflag:s29], $0x1  }
0xb7: {  	[sflag:s29] =	ssyncadd.s32 $0xFFFFFFFF  }
0xb8: {  	_ =	strace $0x90000048  }
0xb9: {  	_ =	sfence  }
0xba: {  	s30 =	sld [smem:$0x0];
	_ =	sdelay $0x2  }
0xbb: {  	s31 =	sshll.u32 s1, $0xD;
	s1 =	sshrl.u32 s1, $0x2  }
0xbc: {  	s3 =	sand.u32 $0x4000, s31;
	s1 =	sadd.s32 s1, s30  }
0xbd: {  	s0 =	sor.u32 s3, s0;
	s1 =	sshll.u32 s1, $0x11  }
0xbe: {  	s0 =	sor.u32 s1, s0  }
0xbf: {  	s0 =	sadd.s32 $0x8F2B, s0  }
0xc0: {  	[sflag:s0] =	ssyncadd.remote.s32 $0x1  }
0xc1: {  	_ =	sfence.sel $0xFFFF  }
0xc2: {  	[dreg:$0x0] =	wrdreg $0xFFFFFFFF;
	(pc) =	sbr.abs _section_cstart, $3  }
0xc3: {  	[dreg:$0x1] =	wrdreg $0xFFFFFFFF  }
0xc4: {  	_ =	task.clear_ibuf [dreg:s9], $0x2FFFF;
	_ =	strace $0x9FFFFFFF  }
0xc5: {  	(tm) =	ssettm $0x7FFFFFFF  }
tec
execute0_lowered:
.L_overlay_start_1:
0x0: {  	(tag) =	ssettag $0x1  }
0x1: {  	s1 =	rddreg [dreg:$0x0]  }
0x2: {  	s0 =	rddreg [dreg:$0x1]  }
0x3: {  	s2 =	rddreg [dreg:$0x2];
	s3 =	srdreg.scid  }
0x4: {  	s5 =	stileid.u32;
	s13 =	simm.s32 $0x1;
	s14 =	simm.s32 $0x2  }
0x5: {  	s22 =	simm.s32 $0x3;
	s31 =	simm.s32 $0x7200;
	s7 =	simm.s32 $0x11A00  }
0x6: {  	s8 =	simm.s32 $0x12200;
	s9 =	simm.s32 $0x12A00;
	s10 =	simm.s32 $0x13200  }
0x7: {  	s11 =	simm.s32 $0x13A00;
	s12 =	simm.s32 $0x14200;
	s15 =	simm.s32 $0x14A00  }
0x8: {  	s16 =	simm.s32 $0x15200;
	s18 =	simm.s32 $0x16200;
	s19 =	simm.s32 $0x16A00  }
0x9: {  	s20 =	simm.s32 $0x17200;
	s21 =	simm.s32 $0x17A00;
	s4 =	sand.u32 $0x1, s3  }
0xa: {  	s3 =	simm.s32 $0x0;
	s5 =	sshll.u32 s5, $0xA;
	s6 =	sshll.u32 s4, $0x9  }
0xb: {  	[smem:$0x7FF] =	sst s3;
	s4 =	ssub.s32 $0x2, s4;
	s5 =	sor.u32 s6, s5  }
0xc: {  	_ =	strace $0x80000047;
	s28 =	sshrl.u32 s4, $0x1;
	s6 =	sshrl.u32 s5, $0x3  }
0xd: {  	v2 =	vlaneseq.u32;
	s5 =	sshll.u32 s5, $0x6;
	s30 =	ssub.s32 s4, s28;
	s0 =	sadd.s32 s0, s6  }
0xe: {  	vm0 =	vmmov $0xffff;
	v1 =	vshrl.u32 v2, $0x3;
	s4 =	sadd.s32 $0x100, s1;
	s29 =	sadd.s32 s2, s5;
	[dreg:$0x4] =	wrdreg s0  }
0xf: {  	v0 =	vand.u32 $0x7, v2;
	v2 =	vor.u32 $0x8, v2;
	v1 =	vmul.u32 $0x8, v1;
	s5 =	smax.u32 s30, $0x1;
	s6 =	simm.s32 $0x11200;
	[dreg:$0x5] =	wrdreg s29  }
.LBB2_1:
0x10: {  	s17 =	rddreg [dreg:$0x4];
	s0 =	simm.s32 $0x5  }
0x11: {  	[tilespmem:s3], [sflag:$0x5] =	stream.linear.gather [hbm4b:s17+s3], $0x200, $0x38;
	[tilespmem:$0x18200] =	vst v63  }
0x12: {  	_ =	swait.ge [sflag:s0], $0x200  }
0x13: {  	[sflag:s0] =	ssyncset.done $0x0  }
0x14: {  	[sflag:s0] =	ssyncadd.s32 $0xFFFFFE00  }
0x15: {  	v3 =	vld [tilespmem:$0x0];
	_ =	sdelay $0x4  }
0x16: {  	v4 =	vshll.u32 v3, $0x2  }
0x17: {  	v3 =	vand.u32 $0x7, v3;
	v4 =	vand.u32 $0xFFFFFFE0, v4  }
0x18: {  	v3 =	vor.u32 v3, v4  }
0x19: {  	v4 =	vperm.xlane v3, v0;
	_ =	sdelay $0x1  }
0x1a: {  	v4 =	vadd.s32 v1, v4;
	_ =	sdelay $0x1  }
0x1b: {  	v3 =	vperm.xlane v3, v2;
	_ =	sdelay $0x1  }
0x1c: {  	s0 =	simm.s32 $0x200;
	v3 =	vadd.s32 v1, v3  }
0x1d: {  	[tilespmem:s0], [sflag:$0x1] =	stream.indirect_vreg.gather [hbm4b:s1+s3], $0x80, v4, vm0, $0xb8;
	[tilespmem:$0x18200] =	vst v63  }
0x1e: {  	s2 =	simm.s32 $0xA00  }
0x1f: {  	[tilespmem:s2], [sflag:$0x1] =	stream.indirect_vreg.gather [hbm4b:s4+s3], $0x80, v4, vm0, $0xb8;
	[tilespmem:$0x18200] =	vst v63  }
0x20: {  	s17 =	simm.s32 $0x1200  }
0x21: {  	[tilespmem:s17], [sflag:$0x1] =	stream.indirect_vreg.gather [hbm4b:s1+s3], $0x80, v3, vm0, $0xb8;
	[tilespmem:$0x18200] =	vst v63  }
0x22: {  	s23 =	simm.s32 $0x1A00  }
0x23: {  	[tilespmem:s23], [sflag:$0x1] =	stream.indirect_vreg.gather [hbm4b:s4+s3], $0x80, v3, vm0, $0xb8;
	[tilespmem:$0x18200] =	vst v63  }
0x24: {  	v3 =	vld [tilespmem:$0x10];
	_ =	sdelay $0x4  }
0x25: {  	v33 =	vshll.u32 v3, $0x2  }
0x26: {  	v3 =	vand.u32 $0x7, v3;
	v4 =	vand.u32 $0xFFFFFFE0, v33  }
0x27: {  	v3 =	vor.u32 v3, v4  }
0x28: {  	v4 =	vperm.xlane v3, v0;
	_ =	sdelay $0x1  }
0x29: {  	v4 =	vadd.s32 v1, v4;
	_ =	sdelay $0x1  }
0x2a: {  	v3 =	vperm.xlane v3, v2;
	_ =	sdelay $0x1  }
0x2b: {  	s25 =	simm.s32 $0x2200;
	v3 =	vadd.s32 v1, v3  }
0x2c: {  	[tilespmem:s25], [sflag:$0x1] =	stream.indirect_vreg.gather [hbm4b:s1+s3], $0x80, v4, vm0, $0xb8;
	[tilespmem:$0x18200] =	vst v63  }
0x2d: {  	s26 =	simm.s32 $0x2A00  }
0x2e: {  	[tilespmem:s26], [sflag:$0x1] =	stream.indirect_vreg.gather [hbm4b:s4+s3], $0x80, v4, vm0, $0xb8;
	[tilespmem:$0x18200] =	vst v63  }
0x2f: {  	s28 =	simm.s32 $0x3200  }
0x30: {  	[tilespmem:s28], [sflag:$0x1] =	stream.indirect_vreg.gather [hbm4b:s1+s3], $0x80, v3, vm0, $0xb8;
	[tilespmem:$0x18200] =	vst v63  }
0x31: {  	s29 =	simm.s32 $0x3A00  }
0x32: {  	[tilespmem:s29], [sflag:$0x1] =	stream.indirect_vreg.gather [hbm4b:s4+s3], $0x80, v3, vm0, $0xb8;
	[tilespmem:$0x18200] =	vst v63  }
0x33: {  	v3 =	vld [tilespmem:$0x20];
	_ =	sdelay $0x4  }
0x34: {  	v34 =	vshll.u32 v3, $0x2  }
0x35: {  	v3 =	vand.u32 $0x7, v3;
	v4 =	vand.u32 $0xFFFFFFE0, v34  }
0x36: {  	v3 =	vor.u32 v3, v4  }
0x37: {  	v4 =	vperm.xlane v3, v0;
	_ =	sdelay $0x1  }
0x38: {  	v4 =	vadd.s32 v1, v4;
	_ =	sdelay $0x1  }
0x39: {  	v3 =	vperm.xlane v3, v2;
	_ =	sdelay $0x1  }
0x3a: {  	s2 =	simm.s32 $0x4200;
	v3 =	vadd.s32 v1, v3  }
0x3b: {  	[tilespmem:s2], [sflag:$0x1] =	stream.indirect_vreg.gather [hbm4b:s1+s3], $0x80, v4, vm0, $0xb8;
	[tilespmem:$0x18200] =	vst v63  }
0x3c: {  	s17 =	simm.s32 $0x4A00  }
0x3d: {  	[tilespmem:s17], [sflag:$0x1] =	stream.indirect_vreg.gather [hbm4b:s4+s3], $0x80, v4, vm0, $0xb8;
	[tilespmem:$0x18200] =	vst v63  }
0x3e: {  	s26 =	simm.s32 $0x5200  }
0x3f: {  	[tilespmem:s26], [sflag:$0x1] =	stream.indirect_vreg.gather [hbm4b:s1+s3], $0x80, v3, vm0, $0xb8;
	[tilespmem:$0x18200] =	vst v63  }
0x40: {  	s28 =	simm.s32 $0x5A00  }
0x41: {  	[tilespmem:s28], [sflag:$0x1] =	stream.indirect_vreg.gather [hbm4b:s4+s3], $0x80, v3, vm0, $0xb8;
	[tilespmem:$0x18200] =	vst v63  }
0x42: {  	v3 =	vld [tilespmem:$0x30];
	_ =	sdelay $0x4  }
0x43: {  	v35 =	vshll.u32 v3, $0x2  }
0x44: {  	v3 =	vand.u32 $0x7, v3;
	v4 =	vand.u32 $0xFFFFFFE0, v35  }
0x45: {  	v3 =	vor.u32 v3, v4  }
0x46: {  	v4 =	vperm.xlane v3, v0;
	_ =	sdelay $0x1  }
0x47: {  	v4 =	vadd.s32 v1, v4;
	_ =	sdelay $0x1  }
0x48: {  	v3 =	vperm.xlane v3, v2;
	_ =	sdelay $0x1  }
0x49: {  	s2 =	simm.s32 $0x6200;
	v3 =	vadd.s32 v1, v3  }
0x4a: {  	[tilespmem:s2], [sflag:$0x1] =	stream.indirect_vreg.gather [hbm4b:s1+s3], $0x80, v4, vm0, $0xb8;
	[tilespmem:$0x18200] =	vst v63  }
0x4b: {  	s17 =	simm.s32 $0x6A00  }
0x4c: {  	[tilespmem:s17], [sflag:$0x1] =	stream.indirect_vreg.gather [hbm4b:s4+s3], $0x80, v4, vm0, $0xb8;
	[tilespmem:$0x18200] =	vst v63  }
0x4d: {  	_ = 	snop  }
0x4e: {  	[tilespmem:s31], [sflag:$0x1] =	stream.indirect_vreg.gather [hbm4b:s1+s3], $0x80, v3, vm0, $0xb8;
	[tilespmem:$0x18200] =	vst v63  }
0x4f: {  	s28 =	simm.s32 $0x7A00  }
0x50: {  	[tilespmem:s28], [sflag:$0x1] =	stream.indirect_vreg.gather [hbm4b:s4+s3], $0x80, v3, vm0, $0xb8;
	[tilespmem:$0x18200] =	vst v63  }
0x51: {  	v3 =	vld [tilespmem:$0x40];
	_ =	sdelay $0x4  }
0x52: {  	v36 =	vshll.u32 v3, $0x2  }
0x53: {  	v3 =	vand.u32 $0x7, v3;
	v4 =	vand.u32 $0xFFFFFFE0, v36  }
0x54: {  	v3 =	vor.u32 v3, v4  }
0x55: {  	v4 =	vperm.xlane v3, v0;
	_ =	sdelay $0x1  }
0x56: {  	v4 =	vadd.s32 v1, v4;
	_ =	sdelay $0x1  }
0x57: {  	v3 =	vperm.xlane v3, v2;
	_ =	sdelay $0x1  }
0x58: {  	s2 =	simm.s32 $0x8200;
	v3 =	vadd.s32 v1, v3  }
0x59: {  	[tilespmem:s2], [sflag:$0x2] =	stream.indirect_vreg.gather [hbm4b:s1+s3], $0x80, v4, vm0, $0xb8;
	[tilespmem:$0x18200] =	vst v63  }
0x5a: {  	s17 =	simm.s32 $0x8A00  }
0x5b: {  	[tilespmem:s17], [sflag:$0x2] =	stream.indirect_vreg.gather [hbm4b:s4+s3], $0x80, v4, vm0, $0xb8;
	[tilespmem:$0x18200] =	vst v63  }
0x5c: {  	s2 =	simm.s32 $0x9200  }
0x5d: {  	[tilespmem:s2], [sflag:$0x2] =	stream.indirect_vreg.gather [hbm4b:s1+s3], $0x80, v3, vm0, $0xb8;
	[tilespmem:$0x18200] =	vst v63  }
0x5e: {  	s17 =	simm.s32 $0x9A00  }
0x5f: {  	[tilespmem:s17], [sflag:$0x2] =	stream.indirect_vreg.gather [hbm4b:s4+s3], $0x80, v3, vm0, $0xb8;
	[tilespmem:$0x18200] =	vst v63  }
0x60: {  	v3 =	vld [tilespmem:$0x50];
	_ =	sdelay $0x4  }
0x61: {  	v37 =	vshll.u32 v3, $0x2  }
0x62: {  	v3 =	vand.u32 $0x7, v3;
	v4 =	vand.u32 $0xFFFFFFE0, v37  }
0x63: {  	v3 =	vor.u32 v3, v4  }
0x64: {  	v4 =	vperm.xlane v3, v0;
	_ =	sdelay $0x1  }
0x65: {  	v4 =	vadd.s32 v1, v4;
	_ =	sdelay $0x1  }
0x66: {  	v3 =	vperm.xlane v3, v2;
	_ =	sdelay $0x1  }
0x67: {  	s2 =	simm.s32 $0xA200;
	v3 =	vadd.s32 v1, v3  }
0x68: {  	[tilespmem:s2], [sflag:$0x2] =	stream.indirect_vreg.gather [hbm4b:s1+s3], $0x80, v4, vm0, $0xb8;
	[tilespmem:$0x18200] =	vst v63  }
0x69: {  	s17 =	simm.s32 $0xAA00  }
0x6a: {  	[tilespmem:s17], [sflag:$0x2] =	stream.indirect_vreg.gather [hbm4b:s4+s3], $0x80, v4, vm0, $0xb8;
	[tilespmem:$0x18200] =	vst v63  }
0x6b: {  	s2 =	simm.s32 $0xB200  }
0x6c: {  	[tilespmem:s2], [sflag:$0x2] =	stream.indirect_vreg.gather [hbm4b:s1+s3], $0x80, v3, vm0, $0xb8;
	[tilespmem:$0x18200] =	vst v63  }
0x6d: {  	s17 =	simm.s32 $0xBA00  }
0x6e: {  	[tilespmem:s17], [sflag:$0x2] =	stream.indirect_vreg.gather [hbm4b:s4+s3], $0x80, v3, vm0, $0xb8;
	[tilespmem:$0x18200] =	vst v63  }
0x6f: {  	v3 =	vld [tilespmem:$0x60];
	_ =	sdelay $0x4  }
0x70: {  	v38 =	vshll.u32 v3, $0x2  }
0x71: {  	v3 =	vand.u32 $0x7, v3;
	v4 =	vand.u32 $0xFFFFFFE0, v38  }
0x72: {  	v3 =	vor.u32 v3, v4  }
0x73: {  	v4 =	vperm.xlane v3, v0;
	_ =	sdelay $0x1  }
0x74: {  	v4 =	vadd.s32 v1, v4;
	_ =	sdelay $0x1  }
0x75: {  	v3 =	vperm.xlane v3, v2;
	_ =	sdelay $0x1  }
0x76: {  	s2 =	simm.s32 $0xC200;
	v3 =	vadd.s32 v1, v3  }
0x77: {  	[tilespmem:s2], [sflag:$0x2] =	stream.indirect_vreg.gather [hbm4b:s1+s3], $0x80, v4, vm0, $0xb8;
	[tilespmem:$0x18200] =	vst v63  }
0x78: {  	s17 =	simm.s32 $0xCA00  }
0x79: {  	[tilespmem:s17], [sflag:$0x2] =	stream.indirect_vreg.gather [hbm4b:s4+s3], $0x80, v4, vm0, $0xb8;
	[tilespmem:$0x18200] =	vst v63  }
0x7a: {  	s2 =	simm.s32 $0xD200  }
0x7b: {  	[tilespmem:s2], [sflag:$0x2] =	stream.indirect_vreg.gather [hbm4b:s1+s3], $0x80, v3, vm0, $0xb8;
	[tilespmem:$0x18200] =	vst v63  }
0x7c: {  	s17 =	simm.s32 $0xDA00  }
0x7d: {  	[tilespmem:s17], [sflag:$0x2] =	stream.indirect_vreg.gather [hbm4b:s4+s3], $0x80, v3, vm0, $0xb8;
	[tilespmem:$0x18200] =	vst v63  }
0x7e: {  	v3 =	vld [tilespmem:$0x70];
	_ =	sdelay $0x4  }
0x7f: {  	v39 =	vshll.u32 v3, $0x2  }
0x80: {  	v3 =	vand.u32 $0x7, v3;
	v4 =	vand.u32 $0xFFFFFFE0, v39  }
0x81: {  	v3 =	vor.u32 v3, v4  }
0x82: {  	v4 =	vperm.xlane v3, v0;
	_ =	sdelay $0x1  }
0x83: {  	v4 =	vadd.s32 v1, v4;
	_ =	sdelay $0x1  }
0x84: {  	v3 =	vperm.xlane v3, v2;
	_ =	sdelay $0x1  }
0x85: {  	s2 =	simm.s32 $0xE200;
	v3 =	vadd.s32 v1, v3  }
0x86: {  	[tilespmem:s2], [sflag:$0x2] =	stream.indirect_vreg.gather [hbm4b:s1+s3], $0x80, v4, vm0, $0xb8;
	[tilespmem:$0x18200] =	vst v63  }
0x87: {  	s17 =	simm.s32 $0xEA00  }
0x88: {  	[tilespmem:s17], [sflag:$0x2] =	stream.indirect_vreg.gather [hbm4b:s4+s3], $0x80, v4, vm0, $0xb8;
	[tilespmem:$0x18200] =	vst v63  }
0x89: {  	s2 =	simm.s32 $0xF200  }
0x8a: {  	[tilespmem:s2], [sflag:$0x2] =	stream.indirect_vreg.gather [hbm4b:s1+s3], $0x80, v3, vm0, $0xb8;
	[tilespmem:$0x18200] =	vst v63  }
0x8b: {  	s17 =	simm.s32 $0xFA00  }
0x8c: {  	[tilespmem:s17], [sflag:$0x2] =	stream.indirect_vreg.gather [hbm4b:s4+s3], $0x80, v3, vm0, $0xb8;
	[tilespmem:$0x18200] =	vst v63  }
0x8d: {  	v3 =	vld [tilespmem:$0x80];
	_ =	sdelay $0x4  }
0x8e: {  	v40 =	vshll.u32 v3, $0x2  }
0x8f: {  	v3 =	vand.u32 $0x7, v3;
	v4 =	vand.u32 $0xFFFFFFE0, v40  }
0x90: {  	v3 =	vor.u32 v3, v4  }
0x91: {  	v4 =	vperm.xlane v3, v0;
	_ =	sdelay $0x1  }
0x92: {  	v4 =	vadd.s32 v1, v4;
	_ =	sdelay $0x1  }
0x93: {  	v3 =	vperm.xlane v3, v2;
	_ =	sdelay $0x1  }
0x94: {  	s0 =	simm.s32 $0x10200;
	v3 =	vadd.s32 v1, v3  }
0x95: {  	[tilespmem:s0], [sflag:$0x3] =	stream.indirect_vreg.gather [hbm4b:s1+s3], $0x80, v4, vm0, $0xb8;
	[tilespmem:$0x18200] =	vst v63  }
0x96: {  	s2 =	simm.s32 $0x10A00  }
0x97: {  	[tilespmem:s2], [sflag:$0x3] =	stream.indirect_vreg.gather [hbm4b:s4+s3], $0x80, v4, vm0, $0xb8;
	[tilespmem:$0x18200] =	vst v63  }
0x98: {  	_ = 	snop  }
0x99: {  	[tilespmem:s6], [sflag:$0x3] =	stream.indirect_vreg.gather [hbm4b:s1+s3], $0x80, v3, vm0, $0xb8;
	[tilespmem:$0x18200] =	vst v63  }
0x9a: {  	_ = 	snop  }
0x9b: {  	[tilespmem:s7], [sflag:$0x3] =	stream.indirect_vreg.gather [hbm4b:s4+s3], $0x80, v3, vm0, $0xb8;
	[tilespmem:$0x18200] =	vst v63  }
0x9c: {  	v3 =	vld [tilespmem:$0x90];
	_ =	sdelay $0x4  }
0x9d: {  	v41 =	vshll.u32 v3, $0x2  }
0x9e: {  	v3 =	vand.u32 $0x7, v3;
	v4 =	vand.u32 $0xFFFFFFE0, v41  }
0x9f: {  	v3 =	vor.u32 v3, v4  }
0xa0: {  	v4 =	vperm.xlane v3, v0;
	_ =	sdelay $0x1  }
0xa1: {  	v4 =	vadd.s32 v1, v4;
	_ =	sdelay $0x1  }
0xa2: {  	v3 =	vperm.xlane v3, v2;
	_ =	sdelay $0x1  }
0xa3: {  	v3 =	vadd.s32 v1, v3  }
0xa4: {  	[tilespmem:s8], [sflag:$0x3] =	stream.indirect_vreg.gather [hbm4b:s1+s3], $0x80, v4, vm0, $0xb8;
	[tilespmem:$0x18200] =	vst v63  }
0xa5: {  	_ = 	snop  }
0xa6: {  	[tilespmem:s9], [sflag:$0x3] =	stream.indirect_vreg.gather [hbm4b:s4+s3], $0x80, v4, vm0, $0xb8;
	[tilespmem:$0x18200] =	vst v63  }
0xa7: {  	_ = 	snop  }
0xa8: {  	[tilespmem:s10], [sflag:$0x3] =	stream.indirect_vreg.gather [hbm4b:s1+s3], $0x80, v3, vm0, $0xb8;
	[tilespmem:$0x18200] =	vst v63  }
0xa9: {  	_ = 	snop  }
0xaa: {  	[tilespmem:s11], [sflag:$0x3] =	stream.indirect_vreg.gather [hbm4b:s4+s3], $0x80, v3, vm0, $0xb8;
	[tilespmem:$0x18200] =	vst v63  }
0xab: {  	v3 =	vld [tilespmem:$0xA0];
	_ =	sdelay $0x4  }
0xac: {  	v42 =	vshll.u32 v3, $0x2  }
0xad: {  	v3 =	vand.u32 $0x7, v3;
	v4 =	vand.u32 $0xFFFFFFE0, v42  }
0xae: {  	v3 =	vor.u32 v3, v4  }
0xaf: {  	v4 =	vperm.xlane v3, v0;
	_ =	sdelay $0x1  }
0xb0: {  	v4 =	vadd.s32 v1, v4;
	_ =	sdelay $0x1  }
0xb1: {  	v3 =	vperm.xlane v3, v2;
	_ =	sdelay $0x1  }
0xb2: {  	v3 =	vadd.s32 v1, v3  }
0xb3: {  	[tilespmem:s12], [sflag:$0x3] =	stream.indirect_vreg.gather [hbm4b:s1+s3], $0x80, v4, vm0, $0xb8;
	[tilespmem:$0x18200] =	vst v63  }
0xb4: {  	_ = 	snop  }
0xb5: {  	[tilespmem:s15], [sflag:$0x3] =	stream.indirect_vreg.gather [hbm4b:s4+s3], $0x80, v4, vm0, $0xb8;
	[tilespmem:$0x18200] =	vst v63  }
0xb6: {  	_ = 	snop  }
0xb7: {  	[tilespmem:s16], [sflag:$0x3] =	stream.indirect_vreg.gather [hbm4b:s1+s3], $0x80, v3, vm0, $0xb8;
	[tilespmem:$0x18200] =	vst v63  }
0xb8: {  	s17 =	simm.s32 $0x15A00  }
0xb9: {  	[tilespmem:s17], [sflag:$0x3] =	stream.indirect_vreg.gather [hbm4b:s4+s3], $0x80, v3, vm0, $0xb8;
	[tilespmem:$0x18200] =	vst v63  }
0xba: {  	v3 =	vld [tilespmem:$0xB0];
	_ =	sdelay $0x4  }
0xbb: {  	v43 =	vshll.u32 v3, $0x2  }
0xbc: {  	v3 =	vand.u32 $0x7, v3;
	v4 =	vand.u32 $0xFFFFFFE0, v43  }
0xbd: {  	v3 =	vor.u32 v3, v4  }
0xbe: {  	v4 =	vperm.xlane v3, v0;
	_ =	sdelay $0x1  }
0xbf: {  	v4 =	vadd.s32 v1, v4;
	_ =	sdelay $0x1  }
0xc0: {  	v3 =	vperm.xlane v3, v2;
	_ =	sdelay $0x1  }
0xc1: {  	v3 =	vadd.s32 v1, v3  }
0xc2: {  	[tilespmem:s18], [sflag:$0x3] =	stream.indirect_vreg.gather [hbm4b:s1+s3], $0x80, v4, vm0, $0xb8;
	[tilespmem:$0x18200] =	vst v63  }
0xc3: {  	_ = 	snop  }
0xc4: {  	[tilespmem:s19], [sflag:$0x3] =	stream.indirect_vreg.gather [hbm4b:s4+s3], $0x80, v4, vm0, $0xb8;
	[tilespmem:$0x18200] =	vst v63  }
0xc5: {  	_ = 	snop  }
0xc6: {  	[tilespmem:s20], [sflag:$0x3] =	stream.indirect_vreg.gather [hbm4b:s1+s3], $0x80, v3, vm0, $0xb8;
	[tilespmem:$0x18200] =	vst v63  }
0xc7: {  	_ = 	snop  }
0xc8: {  	[tilespmem:s21], [sflag:$0x3] =	stream.indirect_vreg.gather [hbm4b:s4+s3], $0x80, v3, vm0, $0xb8;
	[tilespmem:$0x18200] =	vst v63  }
0xc9: {  	_ =	swait.ge [sflag:s13], $0x8000  }
0xca: {  	[sflag:s13] =	ssyncset.done $0x0  }
0xcb: {  	[sflag:s13] =	ssyncadd.s32 $0xFFFF8000  }
0xcc: {  	v3 =	vld [tilespmem:$0xC0];
	_ =	sdelay $0x4  }
0xcd: {  	v44 =	vshll.u32 v3, $0x2  }
0xce: {  	v3 =	vand.u32 $0x7, v3;
	v4 =	vand.u32 $0xFFFFFFE0, v44  }
0xcf: {  	v3 =	vor.u32 v3, v4  }
0xd0: {  	v4 =	vperm.xlane v3, v0;
	_ =	sdelay $0x1  }
0xd1: {  	v4 =	vadd.s32 v1, v4;
	_ =	sdelay $0x1  }
0xd2: {  	v3 =	vperm.xlane v3, v2;
	_ =	sdelay $0x1  }
0xd3: {  	s24 =	simm.s32 $0x200;
	v3 =	vadd.s32 v1, v3  }
0xd4: {  	[tilespmem:s24], [sflag:$0x1] =	stream.indirect_vreg.gather [hbm4b:s1+s3], $0x80, v4, vm0, $0xb8;
	[tilespmem:$0x18200] =	vst v63  }
0xd5: {  	s24 =	simm.s32 $0xA00  }
0xd6: {  	[tilespmem:s24], [sflag:$0x1] =	stream.indirect_vreg.gather [hbm4b:s4+s3], $0x80, v4, vm0, $0xb8;
	[tilespmem:$0x18200] =	vst v63  }
0xd7: {  	s24 =	simm.s32 $0x1200  }
0xd8: {  	[tilespmem:s24], [sflag:$0x1] =	stream.indirect_vreg.gather [hbm4b:s1+s3], $0x80, v3, vm0, $0xb8;
	[tilespmem:$0x18200] =	vst v63  }
0xd9: {  	s23 =	simm.s32 $0x1A00  }
0xda: {  	[tilespmem:s23], [sflag:$0x1] =	stream.indirect_vreg.gather [hbm4b:s4+s3], $0x80, v3, vm0, $0xb8;
	[tilespmem:$0x18200] =	vst v63  }
0xdb: {  	v3 =	vld [tilespmem:$0xD0];
	_ =	sdelay $0x4  }
0xdc: {  	v45 =	vshll.u32 v3, $0x2  }
0xdd: {  	v3 =	vand.u32 $0x7, v3;
	v4 =	vand.u32 $0xFFFFFFE0, v45  }
0xde: {  	v3 =	vor.u32 v3, v4  }
0xdf: {  	v4 =	vperm.xlane v3, v0;
	_ =	sdelay $0x1  }
0xe0: {  	v4 =	vadd.s32 v1, v4;
	_ =	sdelay $0x1  }
0xe1: {  	v3 =	vperm.xlane v3, v2;
	_ =	sdelay $0x1  }
0xe2: {  	s24 =	simm.s32 $0x2200;
	v3 =	vadd.s32 v1, v3  }
0xe3: {  	[tilespmem:s24], [sflag:$0x1] =	stream.indirect_vreg.gather [hbm4b:s1+s3], $0x80, v4, vm0, $0xb8;
	[tilespmem:$0x18200] =	vst v63  }
0xe4: {  	s30 =	simm.s32 $0x2A00  }
0xe5: {  	[tilespmem:s30], [sflag:$0x1] =	stream.indirect_vreg.gather [hbm4b:s4+s3], $0x80, v4, vm0, $0xb8;
	[tilespmem:$0x18200] =	vst v63  }
0xe6: {  	s24 =	simm.s32 $0x3200  }
0xe7: {  	[tilespmem:s24], [sflag:$0x1] =	stream.indirect_vreg.gather [hbm4b:s1+s3], $0x80, v3, vm0, $0xb8;
	[tilespmem:$0x18200] =	vst v63  }
0xe8: {  	s25 =	simm.s32 $0x3A00  }
0xe9: {  	[tilespmem:s25], [sflag:$0x1] =	stream.indirect_vreg.gather [hbm4b:s4+s3], $0x80, v3, vm0, $0xb8;
	[tilespmem:$0x18200] =	vst v63  }
0xea: {  	v3 =	vld [tilespmem:$0xE0];
	_ =	sdelay $0x4  }
0xeb: {  	v46 =	vshll.u32 v3, $0x2  }
0xec: {  	v3 =	vand.u32 $0x7, v3;
	v4 =	vand.u32 $0xFFFFFFE0, v46  }
0xed: {  	v3 =	vor.u32 v3, v4  }
0xee: {  	v4 =	vperm.xlane v3, v0;
	_ =	sdelay $0x1  }
0xef: {  	v4 =	vadd.s32 v1, v4;
	_ =	sdelay $0x1  }
0xf0: {  	v3 =	vperm.xlane v3, v2;
	_ =	sdelay $0x1  }
0xf1: {  	s30 =	simm.s32 $0x4200;
	v3 =	vadd.s32 v1, v3  }
0xf2: {  	[tilespmem:s30], [sflag:$0x1] =	stream.indirect_vreg.gather [hbm4b:s1+s3], $0x80, v4, vm0, $0xb8;
	[tilespmem:$0x18200] =	vst v63  }
0xf3: {  	s29 =	simm.s32 $0x4A00  }
0xf4: {  	[tilespmem:s29], [sflag:$0x1] =	stream.indirect_vreg.gather [hbm4b:s4+s3], $0x80, v4, vm0, $0xb8;
	[tilespmem:$0x18200] =	vst v63  }
0xf5: {  	s24 =	simm.s32 $0x5200  }
0xf6: {  	[tilespmem:s24], [sflag:$0x1] =	stream.indirect_vreg.gather [hbm4b:s1+s3], $0x80, v3, vm0, $0xb8;
	[tilespmem:$0x18200] =	vst v63  }
0xf7: {  	s26 =	simm.s32 $0x5A00  }
0xf8: {  	[tilespmem:s26], [sflag:$0x1] =	stream.indirect_vreg.gather [hbm4b:s4+s3], $0x80, v3, vm0, $0xb8;
	[tilespmem:$0x18200] =	vst v63  }
0xf9: {  	v3 =	vld [tilespmem:$0xF0];
	_ =	sdelay $0x4  }
0xfa: {  	v47 =	vshll.u32 v3, $0x2  }
0xfb: {  	v3 =	vand.u32 $0x7, v3;
	v4 =	vand.u32 $0xFFFFFFE0, v47  }
0xfc: {  	v3 =	vor.u32 v3, v4  }
0xfd: {  	v4 =	vperm.xlane v3, v0;
	_ =	sdelay $0x1  }
0xfe: {  	v4 =	vadd.s32 v1, v4;
	_ =	sdelay $0x1  }
0xff: {  	v3 =	vperm.xlane v3, v2;
	_ =	sdelay $0x1  }
0x100: {  	s25 =	simm.s32 $0x6200;
	v3 =	vadd.s32 v1, v3  }
0x101: {  	[tilespmem:s25], [sflag:$0x1] =	stream.indirect_vreg.gather [hbm4b:s1+s3], $0x80, v4, vm0, $0xb8;
	[tilespmem:$0x18200] =	vst v63  }
0x102: {  	s26 =	simm.s32 $0x6A00  }
0x103: {  	[tilespmem:s26], [sflag:$0x1] =	stream.indirect_vreg.gather [hbm4b:s4+s3], $0x80, v4, vm0, $0xb8;
	[tilespmem:$0x18200] =	vst v63  }
0x104: {  	_ = 	snop  }
0x105: {  	[tilespmem:s31], [sflag:$0x1] =	stream.indirect_vreg.gather [hbm4b:s1+s3], $0x80, v3, vm0, $0xb8;
	[tilespmem:$0x18200] =	vst v63  }
0x106: {  	s28 =	simm.s32 $0x7A00  }
0x107: {  	[tilespmem:s28], [sflag:$0x1] =	stream.indirect_vreg.gather [hbm4b:s4+s3], $0x80, v3, vm0, $0xb8;
	[tilespmem:$0x18200] =	vst v63  }
0x108: {  	_ =	swait.ge [sflag:s14], $0x8000  }
0x109: {  	[sflag:s14] =	ssyncset.done $0x0  }
0x10a: {  	[sflag:s14] =	ssyncadd.s32 $0xFFFF8000  }
0x10b: {  	v3 =	vld [tilespmem:$0x100];
	_ =	sdelay $0x4  }
0x10c: {  	v48 =	vshll.u32 v3, $0x2  }
0x10d: {  	v3 =	vand.u32 $0x7, v3;
	v4 =	vand.u32 $0xFFFFFFE0, v48  }
0x10e: {  	v3 =	vor.u32 v3, v4  }
0x10f: {  	v4 =	vperm.xlane v3, v0;
	_ =	sdelay $0x1  }
0x110: {  	v4 =	vadd.s32 v1, v4;
	_ =	sdelay $0x1  }
0x111: {  	v3 =	vperm.xlane v3, v2;
	_ =	sdelay $0x1  }
0x112: {  	s29 =	simm.s32 $0x8200;
	v3 =	vadd.s32 v1, v3  }
0x113: {  	[tilespmem:s29], [sflag:$0x2] =	stream.indirect_vreg.gather [hbm4b:s1+s3], $0x80, v4, vm0, $0xb8;
	[tilespmem:$0x18200] =	vst v63  }
0x114: {  	s23 =	simm.s32 $0x8A00  }
0x115: {  	[tilespmem:s23], [sflag:$0x2] =	stream.indirect_vreg.gather [hbm4b:s4+s3], $0x80, v4, vm0, $0xb8;
	[tilespmem:$0x18200] =	vst v63  }
0x116: {  	s30 =	simm.s32 $0x9200  }
0x117: {  	[tilespmem:s30], [sflag:$0x2] =	stream.indirect_vreg.gather [hbm4b:s1+s3], $0x80, v3, vm0, $0xb8;
	[tilespmem:$0x18200] =	vst v63  }
0x118: {  	s25 =	simm.s32 $0x9A00  }
0x119: {  	[tilespmem:s25], [sflag:$0x2] =	stream.indirect_vreg.gather [hbm4b:s4+s3], $0x80, v3, vm0, $0xb8;
	[tilespmem:$0x18200] =	vst v63  }
0x11a: {  	v3 =	vld [tilespmem:$0x110];
	_ =	sdelay $0x4  }
0x11b: {  	v49 =	vshll.u32 v3, $0x2  }
0x11c: {  	v3 =	vand.u32 $0x7, v3;
	v4 =	vand.u32 $0xFFFFFFE0, v49  }
0x11d: {  	v3 =	vor.u32 v3, v4  }
0x11e: {  	v4 =	vperm.xlane v3, v0;
	_ =	sdelay $0x1  }
0x11f: {  	v4 =	vadd.s32 v1, v4;
	_ =	sdelay $0x1  }
0x120: {  	v3 =	vperm.xlane v3, v2;
	_ =	sdelay $0x1  }
0x121: {  	s24 =	simm.s32 $0xA200;
	v3 =	vadd.s32 v1, v3  }
0x122: {  	[tilespmem:s24], [sflag:$0x2] =	stream.indirect_vreg.gather [hbm4b:s1+s3], $0x80, v4, vm0, $0xb8;
	[tilespmem:$0x18200] =	vst v63  }
0x123: {  	s26 =	simm.s32 $0xAA00  }
0x124: {  	[tilespmem:s26], [sflag:$0x2] =	stream.indirect_vreg.gather [hbm4b:s4+s3], $0x80, v4, vm0, $0xb8;
	[tilespmem:$0x18200] =	vst v63  }
0x125: {  	s25 =	simm.s32 $0xB200  }
0x126: {  	[tilespmem:s25], [sflag:$0x2] =	stream.indirect_vreg.gather [hbm4b:s1+s3], $0x80, v3, vm0, $0xb8;
	[tilespmem:$0x18200] =	vst v63  }
0x127: {  	s28 =	simm.s32 $0xBA00  }
0x128: {  	[tilespmem:s28], [sflag:$0x2] =	stream.indirect_vreg.gather [hbm4b:s4+s3], $0x80, v3, vm0, $0xb8;
	[tilespmem:$0x18200] =	vst v63  }
0x129: {  	v3 =	vld [tilespmem:$0x120];
	_ =	sdelay $0x4  }
0x12a: {  	v50 =	vshll.u32 v3, $0x2  }
0x12b: {  	v3 =	vand.u32 $0x7, v3;
	v4 =	vand.u32 $0xFFFFFFE0, v50  }
0x12c: {  	v3 =	vor.u32 v3, v4  }
0x12d: {  	v4 =	vperm.xlane v3, v0;
	_ =	sdelay $0x1  }
0x12e: {  	v4 =	vadd.s32 v1, v4;
	_ =	sdelay $0x1  }
0x12f: {  	v3 =	vperm.xlane v3, v2;
	_ =	sdelay $0x1  }
0x130: {  	s29 =	simm.s32 $0xC200;
	v3 =	vadd.s32 v1, v3  }
0x131: {  	[tilespmem:s29], [sflag:$0x2] =	stream.indirect_vreg.gather [hbm4b:s1+s3], $0x80, v4, vm0, $0xb8;
	[tilespmem:$0x18200] =	vst v63  }
0x132: {  	s26 =	simm.s32 $0xCA00  }
0x133: {  	[tilespmem:s26], [sflag:$0x2] =	stream.indirect_vreg.gather [hbm4b:s4+s3], $0x80, v4, vm0, $0xb8;
	[tilespmem:$0x18200] =	vst v63  }
0x134: {  	s30 =	simm.s32 $0xD200  }
0x135: {  	[tilespmem:s30], [sflag:$0x2] =	stream.indirect_vreg.gather [hbm4b:s1+s3], $0x80, v3, vm0, $0xb8;
	[tilespmem:$0x18200] =	vst v63  }
0x136: {  	s29 =	simm.s32 $0xDA00  }
0x137: {  	[tilespmem:s29], [sflag:$0x2] =	stream.indirect_vreg.gather [hbm4b:s4+s3], $0x80, v3, vm0, $0xb8;
	[tilespmem:$0x18200] =	vst v63  }
0x138: {  	v3 =	vld [tilespmem:$0x130];
	_ =	sdelay $0x4  }
0x139: {  	v51 =	vshll.u32 v3, $0x2  }
0x13a: {  	v3 =	vand.u32 $0x7, v3;
	v4 =	vand.u32 $0xFFFFFFE0, v51  }
0x13b: {  	v3 =	vor.u32 v3, v4  }
0x13c: {  	v4 =	vperm.xlane v3, v0;
	_ =	sdelay $0x1  }
0x13d: {  	v4 =	vadd.s32 v1, v4;
	_ =	sdelay $0x1  }
0x13e: {  	v3 =	vperm.xlane v3, v2;
	_ =	sdelay $0x1  }
0x13f: {  	s28 =	simm.s32 $0xE200;
	v3 =	vadd.s32 v1, v3  }
0x140: {  	[tilespmem:s28], [sflag:$0x2] =	stream.indirect_vreg.gather [hbm4b:s1+s3], $0x80, v4, vm0, $0xb8;
	[tilespmem:$0x18200] =	vst v63  }
0x141: {  	s30 =	simm.s32 $0xEA00  }
0x142: {  	[tilespmem:s30], [sflag:$0x2] =	stream.indirect_vreg.gather [hbm4b:s4+s3], $0x80, v4, vm0, $0xb8;
	[tilespmem:$0x18200] =	vst v63  }
0x143: {  	s29 =	simm.s32 $0xF200  }
0x144: {  	[tilespmem:s29], [sflag:$0x2] =	stream.indirect_vreg.gather [hbm4b:s1+s3], $0x80, v3, vm0, $0xb8;
	[tilespmem:$0x18200] =	vst v63  }
0x145: {  	s30 =	simm.s32 $0xFA00  }
0x146: {  	[tilespmem:s30], [sflag:$0x2] =	stream.indirect_vreg.gather [hbm4b:s4+s3], $0x80, v3, vm0, $0xb8;
	[tilespmem:$0x18200] =	vst v63  }
0x147: {  	_ =	swait.ge [sflag:s22], $0x8000  }
0x148: {  	[sflag:s22] =	ssyncset.done $0x0  }
0x149: {  	[sflag:s22] =	ssyncadd.s32 $0xFFFF8000  }
0x14a: {  	v3 =	vld [tilespmem:$0x140];
	_ =	sdelay $0x4  }
0x14b: {  	v52 =	vshll.u32 v3, $0x2  }
0x14c: {  	v3 =	vand.u32 $0x7, v3;
	v4 =	vand.u32 $0xFFFFFFE0, v52  }
0x14d: {  	v3 =	vor.u32 v3, v4  }
0x14e: {  	v4 =	vperm.xlane v3, v0;
	_ =	sdelay $0x1  }
0x14f: {  	v4 =	vadd.s32 v1, v4;
	_ =	sdelay $0x1  }
0x150: {  	v3 =	vperm.xlane v3, v2;
	_ =	sdelay $0x1  }
0x151: {  	v3 =	vadd.s32 v1, v3  }
0x152: {  	[tilespmem:s0], [sflag:$0x3] =	stream.indirect_vreg.gather [hbm4b:s1+s3], $0x80, v4, vm0, $0xb8;
	[tilespmem:$0x18200] =	vst v63  }
0x153: {  	_ = 	snop  }
0x154: {  	[tilespmem:s2], [sflag:$0x3] =	stream.indirect_vreg.gather [hbm4b:s4+s3], $0x80, v4, vm0, $0xb8;
	[tilespmem:$0x18200] =	vst v63  }
0x155: {  	_ = 	snop  }
0x156: {  	[tilespmem:s6], [sflag:$0x3] =	stream.indirect_vreg.gather [hbm4b:s1+s3], $0x80, v3, vm0, $0xb8;
	[tilespmem:$0x18200] =	vst v63  }
0x157: {  	_ = 	snop  }
0x158: {  	[tilespmem:s7], [sflag:$0x3] =	stream.indirect_vreg.gather [hbm4b:s4+s3], $0x80, v3, vm0, $0xb8;
	[tilespmem:$0x18200] =	vst v63  }
0x159: {  	v3 =	vld [tilespmem:$0x150];
	_ =	sdelay $0x4  }
0x15a: {  	v53 =	vshll.u32 v3, $0x2  }
0x15b: {  	v3 =	vand.u32 $0x7, v3;
	v4 =	vand.u32 $0xFFFFFFE0, v53  }
0x15c: {  	v3 =	vor.u32 v3, v4  }
0x15d: {  	v4 =	vperm.xlane v3, v0;
	_ =	sdelay $0x1  }
0x15e: {  	v4 =	vadd.s32 v1, v4;
	_ =	sdelay $0x1  }
0x15f: {  	v3 =	vperm.xlane v3, v2;
	_ =	sdelay $0x1  }
0x160: {  	v3 =	vadd.s32 v1, v3  }
0x161: {  	[tilespmem:s8], [sflag:$0x3] =	stream.indirect_vreg.gather [hbm4b:s1+s3], $0x80, v4, vm0, $0xb8;
	[tilespmem:$0x18200] =	vst v63  }
0x162: {  	_ = 	snop  }
0x163: {  	[tilespmem:s9], [sflag:$0x3] =	stream.indirect_vreg.gather [hbm4b:s4+s3], $0x80, v4, vm0, $0xb8;
	[tilespmem:$0x18200] =	vst v63  }
0x164: {  	_ = 	snop  }
0x165: {  	[tilespmem:s10], [sflag:$0x3] =	stream.indirect_vreg.gather [hbm4b:s1+s3], $0x80, v3, vm0, $0xb8;
	[tilespmem:$0x18200] =	vst v63  }
0x166: {  	_ = 	snop  }
0x167: {  	[tilespmem:s11], [sflag:$0x3] =	stream.indirect_vreg.gather [hbm4b:s4+s3], $0x80, v3, vm0, $0xb8;
	[tilespmem:$0x18200] =	vst v63  }
0x168: {  	v3 =	vld [tilespmem:$0x160];
	_ =	sdelay $0x4  }
0x169: {  	v54 =	vshll.u32 v3, $0x2  }
0x16a: {  	v3 =	vand.u32 $0x7, v3;
	v4 =	vand.u32 $0xFFFFFFE0, v54  }
0x16b: {  	v3 =	vor.u32 v3, v4  }
0x16c: {  	v4 =	vperm.xlane v3, v0;
	_ =	sdelay $0x1  }
0x16d: {  	v4 =	vadd.s32 v1, v4;
	_ =	sdelay $0x1  }
0x16e: {  	v3 =	vperm.xlane v3, v2;
	_ =	sdelay $0x1  }
0x16f: {  	v3 =	vadd.s32 v1, v3  }
0x170: {  	[tilespmem:s12], [sflag:$0x3] =	stream.indirect_vreg.gather [hbm4b:s1+s3], $0x80, v4, vm0, $0xb8;
	[tilespmem:$0x18200] =	vst v63  }
0x171: {  	_ = 	snop  }
0x172: {  	[tilespmem:s15], [sflag:$0x3] =	stream.indirect_vreg.gather [hbm4b:s4+s3], $0x80, v4, vm0, $0xb8;
	[tilespmem:$0x18200] =	vst v63  }
0x173: {  	_ = 	snop  }
0x174: {  	[tilespmem:s16], [sflag:$0x3] =	stream.indirect_vreg.gather [hbm4b:s1+s3], $0x80, v3, vm0, $0xb8;
	[tilespmem:$0x18200] =	vst v63  }
0x175: {  	_ = 	snop  }
0x176: {  	[tilespmem:s17], [sflag:$0x3] =	stream.indirect_vreg.gather [hbm4b:s4+s3], $0x80, v3, vm0, $0xb8;
	[tilespmem:$0x18200] =	vst v63  }
0x177: {  	v3 =	vld [tilespmem:$0x170];
	_ =	sdelay $0x4  }
0x178: {  	v55 =	vshll.u32 v3, $0x2  }
0x179: {  	v3 =	vand.u32 $0x7, v3;
	v4 =	vand.u32 $0xFFFFFFE0, v55  }
0x17a: {  	v3 =	vor.u32 v3, v4  }
0x17b: {  	v4 =	vperm.xlane v3, v0;
	_ =	sdelay $0x1  }
0x17c: {  	v4 =	vadd.s32 v1, v4;
	_ =	sdelay $0x1  }
0x17d: {  	v3 =	vperm.xlane v3, v2;
	_ =	sdelay $0x1  }
0x17e: {  	v3 =	vadd.s32 v1, v3  }
0x17f: {  	[tilespmem:s18], [sflag:$0x3] =	stream.indirect_vreg.gather [hbm4b:s1+s3], $0x80, v4, vm0, $0xb8;
	[tilespmem:$0x18200] =	vst v63  }
0x180: {  	_ = 	snop  }
0x181: {  	[tilespmem:s19], [sflag:$0x3] =	stream.indirect_vreg.gather [hbm4b:s4+s3], $0x80, v4, vm0, $0xb8;
	[tilespmem:$0x18200] =	vst v63  }
0x182: {  	_ = 	snop  }
0x183: {  	[tilespmem:s20], [sflag:$0x3] =	stream.indirect_vreg.gather [hbm4b:s1+s3], $0x80, v3, vm0, $0xb8;
	[tilespmem:$0x18200] =	vst v63  }
0x184: {  	_ = 	snop  }
0x185: {  	[tilespmem:s21], [sflag:$0x3] =	stream.indirect_vreg.gather [hbm4b:s4+s3], $0x80, v3, vm0, $0xb8;
	[tilespmem:$0x18200] =	vst v63  }
0x186: {  	_ =	swait.ge [sflag:s13], $0x8000  }
0x187: {  	[sflag:s13] =	ssyncset.done $0x0  }
0x188: {  	[sflag:s13] =	ssyncadd.s32 $0xFFFF8000  }
0x189: {  	v3 =	vld [tilespmem:$0x180];
	_ =	sdelay $0x4  }
0x18a: {  	v56 =	vshll.u32 v3, $0x2  }
0x18b: {  	v3 =	vand.u32 $0x7, v3;
	v4 =	vand.u32 $0xFFFFFFE0, v56  }
0x18c: {  	v3 =	vor.u32 v3, v4  }
0x18d: {  	v4 =	vperm.xlane v3, v0;
	_ =	sdelay $0x1  }
0x18e: {  	v4 =	vadd.s32 v1, v4;
	_ =	sdelay $0x1  }
0x18f: {  	v3 =	vperm.xlane v3, v2;
	_ =	sdelay $0x1  }
0x190: {  	s0 =	simm.s32 $0x200;
	v3 =	vadd.s32 v1, v3  }
0x191: {  	[tilespmem:s0], [sflag:$0x1] =	stream.indirect_vreg.gather [hbm4b:s1+s3], $0x80, v4, vm0, $0xb8;
	[tilespmem:$0x18200] =	vst v63  }
0x192: {  	s17 =	simm.s32 $0xA00  }
0x193: {  	[tilespmem:s17], [sflag:$0x1] =	stream.indirect_vreg.gather [hbm4b:s4+s3], $0x80, v4, vm0, $0xb8;
	[tilespmem:$0x18200] =	vst v63  }
0x194: {  	s17 =	simm.s32 $0x1200  }
0x195: {  	[tilespmem:s17], [sflag:$0x1] =	stream.indirect_vreg.gather [hbm4b:s1+s3], $0x80, v3, vm0, $0xb8;
	[tilespmem:$0x18200] =	vst v63  }
0x196: {  	s17 =	simm.s32 $0x1A00  }
0x197: {  	[tilespmem:s17], [sflag:$0x1] =	stream.indirect_vreg.gather [hbm4b:s4+s3], $0x80, v3, vm0, $0xb8;
	[tilespmem:$0x18200] =	vst v63  }
0x198: {  	v3 =	vld [tilespmem:$0x190];
	_ =	sdelay $0x4  }
0x199: {  	v57 =	vshll.u32 v3, $0x2  }
0x19a: {  	v3 =	vand.u32 $0x7, v3;
	v4 =	vand.u32 $0xFFFFFFE0, v57  }
0x19b: {  	v3 =	vor.u32 v3, v4  }
0x19c: {  	v4 =	vperm.xlane v3, v0;
	_ =	sdelay $0x1  }
0x19d: {  	v4 =	vadd.s32 v1, v4;
	_ =	sdelay $0x1  }
0x19e: {  	v3 =	vperm.xlane v3, v2;
	_ =	sdelay $0x1  }
0x19f: {  	s17 =	simm.s32 $0x2200;
	v3 =	vadd.s32 v1, v3  }
0x1a0: {  	[tilespmem:s17], [sflag:$0x1] =	stream.indirect_vreg.gather [hbm4b:s1+s3], $0x80, v4, vm0, $0xb8;
	[tilespmem:$0x18200] =	vst v63  }
0x1a1: {  	s17 =	simm.s32 $0x2A00  }
0x1a2: {  	[tilespmem:s17], [sflag:$0x1] =	stream.indirect_vreg.gather [hbm4b:s4+s3], $0x80, v4, vm0, $0xb8;
	[tilespmem:$0x18200] =	vst v63  }
0x1a3: {  	s17 =	simm.s32 $0x3200  }
0x1a4: {  	[tilespmem:s17], [sflag:$0x1] =	stream.indirect_vreg.gather [hbm4b:s1+s3], $0x80, v3, vm0, $0xb8;
	[tilespmem:$0x18200] =	vst v63  }
0x1a5: {  	s17 =	simm.s32 $0x3A00  }
0x1a6: {  	[tilespmem:s17], [sflag:$0x1] =	stream.indirect_vreg.gather [hbm4b:s4+s3], $0x80, v3, vm0, $0xb8;
	[tilespmem:$0x18200] =	vst v63  }
0x1a7: {  	v3 =	vld [tilespmem:$0x1A0];
	_ =	sdelay $0x4  }
0x1a8: {  	v58 =	vshll.u32 v3, $0x2  }
0x1a9: {  	v3 =	vand.u32 $0x7, v3;
	v4 =	vand.u32 $0xFFFFFFE0, v58  }
0x1aa: {  	v3 =	vor.u32 v3, v4  }
0x1ab: {  	v4 =	vperm.xlane v3, v0;
	_ =	sdelay $0x1  }
0x1ac: {  	v4 =	vadd.s32 v1, v4;
	_ =	sdelay $0x1  }
0x1ad: {  	v3 =	vperm.xlane v3, v2;
	_ =	sdelay $0x1  }
0x1ae: {  	s17 =	simm.s32 $0x4200;
	v3 =	vadd.s32 v1, v3  }
0x1af: {  	[tilespmem:s17], [sflag:$0x1] =	stream.indirect_vreg.gather [hbm4b:s1+s3], $0x80, v4, vm0, $0xb8;
	[tilespmem:$0x18200] =	vst v63  }
0x1b0: {  	s17 =	simm.s32 $0x4A00  }
0x1b1: {  	[tilespmem:s17], [sflag:$0x1] =	stream.indirect_vreg.gather [hbm4b:s4+s3], $0x80, v4, vm0, $0xb8;
	[tilespmem:$0x18200] =	vst v63  }
0x1b2: {  	s17 =	simm.s32 $0x5200  }
0x1b3: {  	[tilespmem:s17], [sflag:$0x1] =	stream.indirect_vreg.gather [hbm4b:s1+s3], $0x80, v3, vm0, $0xb8;
	[tilespmem:$0x18200] =	vst v63  }
0x1b4: {  	s17 =	simm.s32 $0x5A00  }
0x1b5: {  	[tilespmem:s17], [sflag:$0x1] =	stream.indirect_vreg.gather [hbm4b:s4+s3], $0x80, v3, vm0, $0xb8;
	[tilespmem:$0x18200] =	vst v63  }
0x1b6: {  	v3 =	vld [tilespmem:$0x1B0];
	_ =	sdelay $0x4  }
0x1b7: {  	v59 =	vshll.u32 v3, $0x2  }
0x1b8: {  	v3 =	vand.u32 $0x7, v3;
	v4 =	vand.u32 $0xFFFFFFE0, v59  }
0x1b9: {  	v3 =	vor.u32 v3, v4  }
0x1ba: {  	v4 =	vperm.xlane v3, v0;
	_ =	sdelay $0x1  }
0x1bb: {  	v4 =	vadd.s32 v1, v4;
	_ =	sdelay $0x1  }
0x1bc: {  	v3 =	vperm.xlane v3, v2;
	_ =	sdelay $0x1  }
0x1bd: {  	s17 =	simm.s32 $0x6200;
	v3 =	vadd.s32 v1, v3  }
0x1be: {  	[tilespmem:s17], [sflag:$0x1] =	stream.indirect_vreg.gather [hbm4b:s1+s3], $0x80, v4, vm0, $0xb8;
	[tilespmem:$0x18200] =	vst v63  }
0x1bf: {  	s17 =	simm.s32 $0x6A00  }
0x1c0: {  	[tilespmem:s17], [sflag:$0x1] =	stream.indirect_vreg.gather [hbm4b:s4+s3], $0x80, v4, vm0, $0xb8;
	[tilespmem:$0x18200] =	vst v63  }
0x1c1: {  	_ = 	snop  }
0x1c2: {  	[tilespmem:s31], [sflag:$0x1] =	stream.indirect_vreg.gather [hbm4b:s1+s3], $0x80, v3, vm0, $0xb8;
	[tilespmem:$0x18200] =	vst v63  }
0x1c3: {  	s17 =	simm.s32 $0x7A00  }
0x1c4: {  	[tilespmem:s17], [sflag:$0x1] =	stream.indirect_vreg.gather [hbm4b:s4+s3], $0x80, v3, vm0, $0xb8;
	[tilespmem:$0x18200] =	vst v63  }
0x1c5: {  	_ =	swait.ge [sflag:s14], $0x8000  }
0x1c6: {  	[sflag:s14] =	ssyncset.done $0x0  }
0x1c7: {  	[sflag:s14] =	ssyncadd.s32 $0xFFFF8000  }
0x1c8: {  	v3 =	vld [tilespmem:$0x1C0];
	_ =	sdelay $0x4  }
0x1c9: {  	v60 =	vshll.u32 v3, $0x2  }
0x1ca: {  	v3 =	vand.u32 $0x7, v3;
	v4 =	vand.u32 $0xFFFFFFE0, v60  }
0x1cb: {  	v3 =	vor.u32 v3, v4  }
0x1cc: {  	v4 =	vperm.xlane v3, v0;
	_ =	sdelay $0x1  }
0x1cd: {  	v4 =	vadd.s32 v1, v4;
	_ =	sdelay $0x1  }
0x1ce: {  	v3 =	vperm.xlane v3, v2;
	_ =	sdelay $0x1  }
0x1cf: {  	s17 =	simm.s32 $0x8200;
	v3 =	vadd.s32 v1, v3  }
0x1d0: {  	[tilespmem:s17], [sflag:$0x2] =	stream.indirect_vreg.gather [hbm4b:s1+s3], $0x80, v4, vm0, $0xb8;
	[tilespmem:$0x18200] =	vst v63  }
0x1d1: {  	_ = 	snop  }
0x1d2: {  	[tilespmem:s23], [sflag:$0x2] =	stream.indirect_vreg.gather [hbm4b:s4+s3], $0x80, v4, vm0, $0xb8;
	[tilespmem:$0x18200] =	vst v63  }
0x1d3: {  	s17 =	simm.s32 $0x9200  }
0x1d4: {  	[tilespmem:s17], [sflag:$0x2] =	stream.indirect_vreg.gather [hbm4b:s1+s3], $0x80, v3, vm0, $0xb8;
	[tilespmem:$0x18200] =	vst v63  }
0x1d5: {  	s23 =	simm.s32 $0x9A00  }
0x1d6: {  	[tilespmem:s23], [sflag:$0x2] =	stream.indirect_vreg.gather [hbm4b:s4+s3], $0x80, v3, vm0, $0xb8;
	[tilespmem:$0x18200] =	vst v63  }
0x1d7: {  	v3 =	vld [tilespmem:$0x1D0];
	_ =	sdelay $0x4  }
0x1d8: {  	v61 =	vshll.u32 v3, $0x2  }
0x1d9: {  	v3 =	vand.u32 $0x7, v3;
	v4 =	vand.u32 $0xFFFFFFE0, v61  }
0x1da: {  	v3 =	vor.u32 v3, v4  }
0x1db: {  	v4 =	vperm.xlane v3, v0;
	_ =	sdelay $0x1  }
0x1dc: {  	v4 =	vadd.s32 v1, v4;
	_ =	sdelay $0x1  }
0x1dd: {  	v3 =	vperm.xlane v3, v2;
	_ =	sdelay $0x1  }
0x1de: {  	v3 =	vadd.s32 v1, v3  }
0x1df: {  	[tilespmem:s24], [sflag:$0x2] =	stream.indirect_vreg.gather [hbm4b:s1+s3], $0x80, v4, vm0, $0xb8;
	[tilespmem:$0x18200] =	vst v63  }
0x1e0: {  	s17 =	simm.s32 $0xAA00  }
0x1e1: {  	[tilespmem:s17], [sflag:$0x2] =	stream.indirect_vreg.gather [hbm4b:s4+s3], $0x80, v4, vm0, $0xb8;
	[tilespmem:$0x18200] =	vst v63  }
0x1e2: {  	_ = 	snop  }
0x1e3: {  	[tilespmem:s25], [sflag:$0x2] =	stream.indirect_vreg.gather [hbm4b:s1+s3], $0x80, v3, vm0, $0xb8;
	[tilespmem:$0x18200] =	vst v63  }
0x1e4: {  	s23 =	simm.s32 $0xBA00  }
0x1e5: {  	[tilespmem:s23], [sflag:$0x2] =	stream.indirect_vreg.gather [hbm4b:s4+s3], $0x80, v3, vm0, $0xb8;
	[tilespmem:$0x18200] =	vst v63  }
0x1e6: {  	v3 =	vld [tilespmem:$0x1E0];
	_ =	sdelay $0x4  }
0x1e7: {  	v62 =	vshll.u32 v3, $0x2  }
0x1e8: {  	v3 =	vand.u32 $0x7, v3;
	v4 =	vand.u32 $0xFFFFFFE0, v62  }
0x1e9: {  	v3 =	vor.u32 v3, v4  }
0x1ea: {  	v4 =	vperm.xlane v3, v0;
	_ =	sdelay $0x1  }
0x1eb: {  	v4 =	vadd.s32 v1, v4;
	_ =	sdelay $0x1  }
0x1ec: {  	v3 =	vperm.xlane v3, v2;
	_ =	sdelay $0x1  }
0x1ed: {  	s24 =	simm.s32 $0xC200;
	v3 =	vadd.s32 v1, v3  }
0x1ee: {  	[tilespmem:s24], [sflag:$0x2] =	stream.indirect_vreg.gather [hbm4b:s1+s3], $0x80, v4, vm0, $0xb8;
	[tilespmem:$0x18200] =	vst v63  }
0x1ef: {  	_ = 	snop  }
0x1f0: {  	[tilespmem:s26], [sflag:$0x2] =	stream.indirect_vreg.gather [hbm4b:s4+s3], $0x80, v4, vm0, $0xb8;
	[tilespmem:$0x18200] =	vst v63  }
0x1f1: {  	s25 =	simm.s32 $0xD200  }
0x1f2: {  	[tilespmem:s25], [sflag:$0x2] =	stream.indirect_vreg.gather [hbm4b:s1+s3], $0x80, v3, vm0, $0xb8;
	[tilespmem:$0x18200] =	vst v63  }
0x1f3: {  	s26 =	simm.s32 $0xDA00  }
0x1f4: {  	[tilespmem:s26], [sflag:$0x2] =	stream.indirect_vreg.gather [hbm4b:s4+s3], $0x80, v3, vm0, $0xb8;
	[tilespmem:$0x18200] =	vst v63  }
0x1f5: {  	v3 =	vld [tilespmem:$0x1F0];
	_ =	sdelay $0x4  }
0x1f6: {  	v63 =	vshll.u32 v3, $0x2  }
0x1f7: {  	v3 =	vand.u32 $0x7, v3;
	v4 =	vand.u32 $0xFFFFFFE0, v63  }
0x1f8: {  	v3 =	vor.u32 v3, v4  }
0x1f9: {  	v4 =	vperm.xlane v3, v0;
	_ =	sdelay $0x1  }
0x1fa: {  	v4 =	vadd.s32 v1, v4;
	_ =	sdelay $0x1  }
0x1fb: {  	v3 =	vperm.xlane v3, v2;
	_ =	sdelay $0x1  }
0x1fc: {  	v3 =	vadd.s32 v1, v3  }
0x1fd: {  	[tilespmem:s28], [sflag:$0x2] =	stream.indirect_vreg.gather [hbm4b:s1+s3], $0x80, v4, vm0, $0xb8;
	[tilespmem:$0x18200] =	vst v63  }
0x1fe: {  	s28 =	simm.s32 $0xEA00  }
0x1ff: {  	[tilespmem:s28], [sflag:$0x2] =	stream.indirect_vreg.gather [hbm4b:s4+s3], $0x80, v4, vm0, $0xb8;
	[tilespmem:$0x18200] =	vst v63  }
0x200: {  	_ = 	snop  }
0x201: {  	[tilespmem:s29], [sflag:$0x2] =	stream.indirect_vreg.gather [hbm4b:s1+s3], $0x80, v3, vm0, $0xb8;
	[tilespmem:$0x18200] =	vst v63  }
0x202: {  	s30 =	simm.s32 $0xFA00  }
0x203: {  	[tilespmem:s30], [sflag:$0x2] =	stream.indirect_vreg.gather [hbm4b:s4+s3], $0x80, v3, vm0, $0xb8;
	[tilespmem:$0x18200] =	vst v63  }
0x204: {  	_ =	swait.ge [sflag:s22], $0x8000  }
0x205: {  	[sflag:s22] =	ssyncset.done $0x0  }
0x206: {  	[sflag:s22] =	ssyncadd.s32 $0xFFFF8000  }
0x207: {  	_ =	swait.ge [sflag:s13], $0x8000  }
0x208: {  	[sflag:s13] =	ssyncset.done $0x0  }
0x209: {  	[sflag:s13] =	ssyncadd.s32 $0xFFFF8000  }
0x20a: {  	_ =	swait.ge [sflag:s14], $0x8000  }
0x20b: {  	p0 =	sne.s32 s5, $0x1;
	s30 =	simm.s32 $0x4;
	[sflag:s14] =	ssyncset.done $0x0  }
.Ltmp0:
0x20c: {  	s29 =	rddreg [dreg:$0x5];
	[sflag:s14] =	ssyncadd.s32 $0xFFFF8000;
	(pc) =	sbr.rel @p0 .LBB2_1-.Ltmp0, $4  }
0x20d: {  	[hbm4b:s29+s3] =	stream.linear.scatter [tilespmem:s0], [sflag:$0x4], $0x8000, $0x38;
	[tilespmem:$0x18200] =	vst v63  }
0x20e: {  	_ =	swait.ge [sflag:s30], $0x8000  }
0x20f: {  	[sflag:s30] =	ssyncset.done $0x0  }
0x210: {  	s5 =	sadd.s32 $0xFFFFFFFF, s5;
	[sflag:s30] =	ssyncadd.s32 $0xFFFF8000  }
0x211: {  	_ =	sfence.sel $0x180000  }
0x212: {  	[bflag:$0x0] =	sbarrier.arrive $0xFFFF  }
0x213: {  	_ =	strace $0x90000047  }
0x214: {  	s0 =	stileid.u32;
	[bflag:$0x2] =	sbarrier.arrive $0xFFFF  }
0x215: {  	p0 =	sne.s32 s0, $0x0;
	s0 =	rddreg [dreg:$0x3]  }
0x216: {  	s0 =	sadd.s32 @!p0 $0x100000, s0  }
0x217: {  	[sflag:s0] =	ssyncadd.tile.s32 @!p0 $0x1;
	_ =	shalt  }
.Lfunc_end2:
_tile_overlayer_lowered:
.L_overlay_start_2:
0x218: {  	(tag) =	ssettag $0x2  }
0x219: {  	s0 =	rddreg [dreg:$0x0];
	s2 =	stileid.u32  }
0x21a: {  	s1 =	rddreg [dreg:$0x1];
	p0 =	sne.s32 s2, $0x0  }
0x21b: {  	s3 =	rddreg [dreg:$0x2];
	[bflag:$0x3] =	sbarrier.arrive $0xFFFF;
	s2 =	simm.s32 @!p0 $0x1C05  }
0x21c: {  	[timem:s3], [sflag:s2] =	dma.local @!p0 [hbm:s0], s1  }
0x21d: {  	s0 =	simm.s32 @!p0 $0x5  }
0x21e: {  	_ =	swait.ge @!p0 [sflag:s0], s1  }
0x21f: {  	s1 =	ssub.s32 @!p0 $0x0, s1;
	[sflag:s0] =	ssyncset.done @!p0 $0x0  }
0x220: {  	[sflag:s0] =	ssyncadd.s32 @!p0 s1  }
0x221: {  	[bflag:$0x3] =	sbarrier.arrive $0xFFFF  }
0x222: {  	_ =	shalt  }

</sc_bundles>
